<compile_context>
chip_gen: v7x
topology: tpu7x:2x2x1
jax: 0.10.2.dev20260603
libtpu: 0.0.44.dev20260713+nightly
codegen_flags: <defaults>
</compile_context>

<pallas_src>
import jax
import jax.numpy as jnp
from jax import lax
from jax.experimental import pallas as pl

_RATIOS = (0.5, 1.0, 2.0)
_SCALES = (128.0, 256.0, 512.0)
_IMAGE_SIZE = 1920
_NMS_PRE = 3000
_NMS_POST = 300
_THRESHOLD = 0.6

_NPAD = 3072
_ROWS = 24
_LANES = 128


def _anchors(feat_stride, map_size):
    xs = (feat_stride * jnp.arange(map_size, dtype=jnp.float64) + feat_stride) / 2.0
    ys = xs
    combos = [(r, s) for r in _RATIOS for s in _SCALES]
    r = jnp.array([c[0] for c in combos], dtype=jnp.float64)
    s = jnp.array([c[1] for c in combos], dtype=jnp.float64)
    X = xs[:, None, None]
    Y = ys[None, :, None]
    x1 = X - s / 2.0
    x2 = X + s / 2.0
    y1 = Y - s * r / 2.0
    y2 = Y + s * r / 2.0
    x1, y1, x2, y2 = jnp.broadcast_arrays(x1, y1, x2, y2)
    return jnp.stack([x1, y1, x2, y2], axis=-1)


def _nms_kernel(anc_ref, dlt_ref, ancr_ref, dltr_ref, mask_ref, boxes_ref):
    x1 = jnp.clip(anc_ref[0] + dlt_ref[0], 0.0, float(_IMAGE_SIZE))
    y1 = jnp.clip(anc_ref[1] + dlt_ref[1], 0.0, float(_IMAGE_SIZE))
    x2 = jnp.clip(anc_ref[2] + dlt_ref[2], 0.0, float(_IMAGE_SIZE))
    y2 = jnp.clip(anc_ref[3] + dlt_ref[3], 0.0, float(_IMAGE_SIZE))
    boxes_ref[...] = jnp.clip(ancr_ref[...] + dltr_ref[...], 0.0, float(_IMAGE_SIZE))

    area = (x2 - x1) * (y2 - y1)
    gidx = (
        lax.broadcasted_iota(jnp.int32, (_ROWS, _LANES), 0) * _LANES
        + lax.broadcasted_iota(jnp.int32, (_ROWS, _LANES), 1)
    )

    def step(i, mask):
        row = boxes_ref[pl.ds(i, 1), :]
        xi1 = row[:, 0:1]
        yi1 = row[:, 1:2]
        xi2 = row[:, 2:3]
        yi2 = row[:, 3:4]
        mi = jnp.sum(jnp.where(gidx == i, mask, 0.0))
        ai = (xi2 - xi1) * (yi2 - yi1)

        xx1 = jnp.maximum(xi1, x1)
        yy1 = jnp.maximum(yi1, y1)
        xx2 = jnp.minimum(xi2, x2)
        yy2 = jnp.minimum(yi2, y2)
        w = jnp.clip(xx2 - xx1, 0.0, None)
        h = jnp.clip(yy2 - yy1, 0.0, None)
        inter = w * h
        iou = inter / (ai + area - inter + 1e-9)
        sup = (iou > _THRESHOLD) & (gidx > i) & (mi > 0.5)
        return jnp.where(sup, 0.0, mask)

    mask = lax.fori_loop(0, _NMS_PRE, step, jnp.ones((_ROWS, _LANES), jnp.float32))
    mask_ref[...] = mask


def kernel(cls_scores, bbox_deltas):
    H = cls_scores.shape[2]
    W = cls_scores.shape[3]
    batch_size = cls_scores.shape[0]
    feat_stride = round(_IMAGE_SIZE / float(W))
    anc = _anchors(feat_stride, W).astype(jnp.float32)

    scores_flat = cls_scores[0, ::2].reshape(batch_size, -1)

    bd = jnp.transpose(bbox_deltas, (0, 2, 3, 1))[0]
    bd = bd.reshape(H, W, -1, 4)

    def scramble(a):
        a = a.reshape(batch_size, -1, 4, H, W)
        a = jnp.transpose(a, (0, 3, 4, 1, 2)).reshape(batch_size, -1, 4)
        return a

    anc_s = scramble(anc)
    bd_s = scramble(bd)

    pre_nms = min(_NMS_PRE, scores_flat.shape[1])
    neg = jnp.where(scores_flat[0] == 0.0, 0.0, -scores_flat[0])
    sort_order = jnp.argsort(neg, stable=True)[:pre_nms][None]
    sorted_scores = scores_flat[0][sort_order]

    anc_sel = anc_s[0][sort_order][0]
    bd_sel = bd_s[0][sort_order][0]

    def pad_rows(a):
        return jnp.pad(a, ((0, _NPAD - pre_nms), (0, 0)))

    def to_tiles(a):
        return pad_rows(a).T.reshape(4, _ROWS, _LANES)

    mask_t, boxes_rows = pl.pallas_call(
        _nms_kernel,
        out_shape=(
            jax.ShapeDtypeStruct((_ROWS, _LANES), jnp.float32),
            jax.ShapeDtypeStruct((_NPAD, 4), jnp.float32),
        ),
    )(to_tiles(anc_sel), to_tiles(bd_sel), pad_rows(anc_sel), pad_rows(bd_sel))

    mask = mask_t.reshape(-1)[:pre_nms] > 0.5
    regs = boxes_rows[:pre_nms]

    keep = jnp.argsort((~mask).astype(jnp.int32), stable=True)[:_NMS_POST]
    proposals = regs[keep]
    kept_scores = sorted_scores[0][keep]

    out = jnp.zeros((batch_size, _NMS_POST, 5), dtype=cls_scores.dtype)
    out = out.at[0, :, 0].set(kept_scores)
    out = out.at[0, :, 1:].set(proposals)
    return out

# --- scband reference (transcript-rebuilt; emitter-appended) ---
"""Pipeline reference for scband-proposal-layer-59940563583605 (READ-ONLY COPY).

The authoritative reference and input builder live on the scoring server;
editing this copy changes nothing except your own understanding.
"""

import jax, jax.numpy as jnp
import numpy as np

RATIOS = (0.5, 1.0, 2.0)
SCALES = (128.0, 256.0, 512.0)
IMAGE_SIZE = 1920
NMS_PRE = 3000
NMS_POST = 300
THRESHOLD = 0.6


def make_anchors(feat_stride, map_size):
    # vectorized version of generate_anchors (same math)
    xs = (feat_stride * jnp.arange(map_size, dtype=jnp.float64) + feat_stride) / 2.0
    ys = xs
    combos = [(r, s) for r in RATIOS for s in SCALES]  # itertools.product order
    r = jnp.array([c[0] for c in combos], dtype=jnp.float64)
    s = jnp.array([c[1] for c in combos], dtype=jnp.float64)
    X = xs[:, None, None]  # [m,1,1] (x comes from index i)
    Y = ys[None, :, None]  # [1,m,1] (y comes from index j)
    x1 = X - s / 2.0
    x2 = X + s / 2.0
    y1 = Y - s * r / 2.0
    y2 = Y + s * r / 2.0
    x1, y1, x2, y2 = jnp.broadcast_arrays(x1, y1, x2, y2)
    return jnp.stack([x1, y1, x2, y2], axis=-1)  # [m, m, K, 4]


def nms_keep_mask(boxes, thresh):
    # greedy NMS on boxes already sorted by descending score; returns keep mask
    boxes = jax.lax.stop_gradient(boxes)  # torch code calls .detach() before nms
    x1, y1, x2, y2 = boxes[:, 0], boxes[:, 1], boxes[:, 2], boxes[:, 3]
    areas = (x2 - x1) * (y2 - y1)
    xx1 = jnp.maximum(x1[:, None], x1[None, :])
    yy1 = jnp.maximum(y1[:, None], y1[None, :])
    xx2 = jnp.minimum(x2[:, None], x2[None, :])
    yy2 = jnp.minimum(y2[:, None], y2[None, :])
    w = jnp.clip(xx2 - xx1, 0.0, None)
    h = jnp.clip(yy2 - yy1, 0.0, None)
    inter = w * h
    iou = inter / (areas[:, None] + areas[None, :] - inter + 1e-9)
    N = boxes.shape[0]
    idxs = jnp.arange(N)

    def step(mask, i):
        sup = (iou[i] > thresh) & (idxs > i) & mask[i]
        return mask & (~sup), None

    mask, _ = jax.lax.scan(step, jnp.ones((N,), dtype=bool), idxs)
    return mask


def reference(cls_scores, bbox_deltas):
    H = cls_scores.shape[2]
    W = cls_scores.shape[3]
    batch_size = cls_scores.shape[0]
    feat_stride = round(IMAGE_SIZE / float(W))
    anchors = make_anchors(feat_stride, W).astype(jnp.float32)  # [H,W,K,4]

    cs = jnp.squeeze(cls_scores)                    # [2K,H,W]
    cs_pos = jnp.transpose(cs, (1, 2, 0))           # [H,W,2K]
    cs_pos = cs_pos[:, :, ::2]                      # even channels -> [H,W,K]

    bd = jnp.transpose(bbox_deltas, (0, 2, 3, 1))   # [1,H,W,4K]
    bd = jnp.squeeze(bd)                            # [H,W,4K]
    bd = bd.reshape(bd.shape[0], bd.shape[1], -1, 4)  # [H,W,K,4]

    regions = anchors + bd
    regions = jnp.clip(regions, 0.0, float(IMAGE_SIZE))

    cs_pos = jnp.transpose(cs_pos, (2, 0, 1)).reshape(batch_size, -1)  # [1, K*H*W]
    # faithful reproduction of the raw memory view in the torch code
    regions = regions.reshape(batch_size, -1, 4, H, W)
    regions = jnp.transpose(regions, (0, 3, 4, 1, 2)).reshape(batch_size, -1, 4)

    pre_nms = min(NMS_PRE, cs_pos.shape[1])
    _, sort_order = jax.lax.top_k(cs_pos, pre_nms)  # [1, pre_nms], sorted desc

    scores = cs_pos[0][sort_order].reshape(-1, 1)   # [pre_nms, 1]
    regs = jnp.squeeze(regions[0][sort_order])      # [pre_nms, 4]

    mask = nms_keep_mask(regs, THRESHOLD)
    keep = jnp.argsort((~mask).astype(jnp.int32), stable=True)[:NMS_POST]

    proposals = regs[keep]                          # [NMS_POST, 4]
    kept_scores = scores[keep, 0]                   # [NMS_POST]

    out = jnp.zeros((batch_size, NMS_POST, 5), dtype=cls_scores.dtype)
    out = out.at[0, :, 0].set(kept_scores)
    out = out.at[0, :, 1:].set(proposals)
    return out


def setup_inputs(seed: int = 0):
    key = jax.random.key(seed)
    k1, k2 = jax.random.split(key, 2)
    cls_scores = jax.random.normal(k1, (1, 18, 120, 120), dtype=jnp.float32)
    bbox_deltas = jax.random.normal(k2, (1, 36, 120, 120), dtype=jnp.float32)
    return {"cls_scores": cls_scores, "bbox_deltas": bbox_deltas}

if __name__ == "__main__":
    import jax
    _d = setup_inputs()
    print(jax.jit(kernel)(*tuple(_d.values())))

</pallas_src>

<mosaic_0001>
module attributes {stable_mosaic.version = 14 : i64} {
  func.func @_nms_kernel(%arg0: memref<4x24x128xf32, #tpu.memory_space<vmem>>, %arg1: memref<4x24x128xf32, #tpu.memory_space<vmem>>, %arg2: memref<3072x4xf32, #tpu.memory_space<vmem>>, %arg3: memref<3072x4xf32, #tpu.memory_space<vmem>>, %arg4: memref<24x128xf32, #tpu.memory_space<vmem>>, %arg5: memref<3072x4xf32, #tpu.memory_space<vmem>>) attributes {dimension_semantics = [], scalar_prefetch = 0 : i64, scratch_operands = 0 : i64, tpu.core_type = #tpu.core_type<tc>} {
    %get3A = arith.constant 0 : index
    %get3A_0 = arith.constant 0 : index
    %get3A_1 = arith.constant 0 : index
    %get3A_2 = vector.load %arg0[%get3A, %get3A_0, %get3A_1] : memref<4x24x128xf32, #tpu.memory_space<vmem>>, vector<1x24x128xf32>
    %get3A_3 = vector.shape_cast %get3A_2 : vector<1x24x128xf32> to vector<24x128xf32>
    %get3A_4 = arith.constant 0 : index
    %get3A_5 = arith.constant 0 : index
    %get3A_6 = arith.constant 0 : index
    %get3A_7 = vector.load %arg1[%get3A_4, %get3A_5, %get3A_6] : memref<4x24x128xf32, #tpu.memory_space<vmem>>, vector<1x24x128xf32>
    %get3A_8 = vector.shape_cast %get3A_7 : vector<1x24x128xf32> to vector<24x128xf32>
    %add3A = arith.addf %get3A_3, %get3A_8 : vector<24x128xf32>
    %jit3A = arith.constant 0.000000e+00 : f32
    %jit3A_9 = arith.constant 1.920000e+03 : f32
    %max3A = vector.broadcast %jit3A : f32 to vector<24x128xf32>
    %max3A_10 = arith.maximumf %max3A, %add3A : vector<24x128xf32>
    %min3A = vector.broadcast %jit3A_9 : f32 to vector<24x128xf32>
    %min3A_11 = arith.minimumf %min3A, %max3A_10 : vector<24x128xf32>
    %get3A_12 = arith.constant 1 : index
    %get3A_13 = arith.constant 0 : index
    %get3A_14 = arith.constant 0 : index
    %get3A_15 = vector.load %arg0[%get3A_12, %get3A_13, %get3A_14] : memref<4x24x128xf32, #tpu.memory_space<vmem>>, vector<1x24x128xf32>
    %get3A_16 = vector.shape_cast %get3A_15 : vector<1x24x128xf32> to vector<24x128xf32>
    %get3A_17 = arith.constant 1 : index
    %get3A_18 = arith.constant 0 : index
    %get3A_19 = arith.constant 0 : index
    %get3A_20 = vector.load %arg1[%get3A_17, %get3A_18, %get3A_19] : memref<4x24x128xf32, #tpu.memory_space<vmem>>, vector<1x24x128xf32>
    %get3A_21 = vector.shape_cast %get3A_20 : vector<1x24x128xf32> to vector<24x128xf32>
    %add3A_22 = arith.addf %get3A_16, %get3A_21 : vector<24x128xf32>
    %jit3A_23 = arith.constant 0.000000e+00 : f32
    %jit3A_24 = arith.constant 1.920000e+03 : f32
    %max3A_25 = vector.broadcast %jit3A_23 : f32 to vector<24x128xf32>
    %max3A_26 = arith.maximumf %max3A_25, %add3A_22 : vector<24x128xf32>
    %min3A_27 = vector.broadcast %jit3A_24 : f32 to vector<24x128xf32>
    %min3A_28 = arith.minimumf %min3A_27, %max3A_26 : vector<24x128xf32>
    %get3A_29 = arith.constant 2 : index
    %get3A_30 = arith.constant 0 : index
    %get3A_31 = arith.constant 0 : index
    %get3A_32 = vector.load %arg0[%get3A_29, %get3A_30, %get3A_31] : memref<4x24x128xf32, #tpu.memory_space<vmem>>, vector<1x24x128xf32>
    %get3A_33 = vector.shape_cast %get3A_32 : vector<1x24x128xf32> to vector<24x128xf32>
    %get3A_34 = arith.constant 2 : index
    %get3A_35 = arith.constant 0 : index
    %get3A_36 = arith.constant 0 : index
    %get3A_37 = vector.load %arg1[%get3A_34, %get3A_35, %get3A_36] : memref<4x24x128xf32, #tpu.memory_space<vmem>>, vector<1x24x128xf32>
    %get3A_38 = vector.shape_cast %get3A_37 : vector<1x24x128xf32> to vector<24x128xf32>
    %add3A_39 = arith.addf %get3A_33, %get3A_38 : vector<24x128xf32>
    %jit3A_40 = arith.constant 0.000000e+00 : f32
    %jit3A_41 = arith.constant 1.920000e+03 : f32
    %max3A_42 = vector.broadcast %jit3A_40 : f32 to vector<24x128xf32>
    %max3A_43 = arith.maximumf %max3A_42, %add3A_39 : vector<24x128xf32>
    %min3A_44 = vector.broadcast %jit3A_41 : f32 to vector<24x128xf32>
    %min3A_45 = arith.minimumf %min3A_44, %max3A_43 : vector<24x128xf32>
    %get3A_46 = arith.constant 3 : index
    %get3A_47 = arith.constant 0 : index
    %get3A_48 = arith.constant 0 : index
    %get3A_49 = vector.load %arg0[%get3A_46, %get3A_47, %get3A_48] : memref<4x24x128xf32, #tpu.memory_space<vmem>>, vector<1x24x128xf32>
    %get3A_50 = vector.shape_cast %get3A_49 : vector<1x24x128xf32> to vector<24x128xf32>
    %get3A_51 = arith.constant 3 : index
    %get3A_52 = arith.constant 0 : index
    %get3A_53 = arith.constant 0 : index
    %get3A_54 = vector.load %arg1[%get3A_51, %get3A_52, %get3A_53] : memref<4x24x128xf32, #tpu.memory_space<vmem>>, vector<1x24x128xf32>
    %get3A_55 = vector.shape_cast %get3A_54 : vector<1x24x128xf32> to vector<24x128xf32>
    %add3A_56 = arith.addf %get3A_50, %get3A_55 : vector<24x128xf32>
    %jit3A_57 = arith.constant 0.000000e+00 : f32
    %jit3A_58 = arith.constant 1.920000e+03 : f32
    %max3A_59 = vector.broadcast %jit3A_57 : f32 to vector<24x128xf32>
    %max3A_60 = arith.maximumf %max3A_59, %add3A_56 : vector<24x128xf32>
    %min3A_61 = vector.broadcast %jit3A_58 : f32 to vector<24x128xf32>
    %min3A_62 = arith.minimumf %min3A_61, %max3A_60 : vector<24x128xf32>
    %get3A_63 = arith.constant 0 : index
    %get3A_64 = arith.constant 0 : index
    %get3A_65 = vector.load %arg2[%get3A_63, %get3A_64] : memref<3072x4xf32, #tpu.memory_space<vmem>>, vector<3072x4xf32>
    %get3A_66 = arith.constant 0 : index
    %get3A_67 = arith.constant 0 : index
    %get3A_68 = vector.load %arg3[%get3A_66, %get3A_67] : memref<3072x4xf32, #tpu.memory_space<vmem>>, vector<3072x4xf32>
    %add3A_69 = arith.addf %get3A_65, %get3A_68 : vector<3072x4xf32>
    %jit3A_70 = arith.constant 0.000000e+00 : f32
    %jit3A_71 = arith.constant 1.920000e+03 : f32
    %max3A_72 = vector.broadcast %jit3A_70 : f32 to vector<3072x4xf32>
    %max3A_73 = arith.maximumf %max3A_72, %add3A_69 : vector<3072x4xf32>
    %min3A_74 = vector.broadcast %jit3A_71 : f32 to vector<3072x4xf32>
    %min3A_75 = arith.minimumf %min3A_74, %max3A_73 : vector<3072x4xf32>
    %swap3A = arith.constant 0 : index
    %swap3A_76 = arith.constant 0 : index
    %swap3A_77 = vector.load %arg5[%swap3A, %swap3A_76] : memref<3072x4xf32, #tpu.memory_space<vmem>>, vector<3072x4xf32>
    tpu.vector_store %arg5[%swap3A, %swap3A_76], %min3A_75 {strides = array<i32>} : memref<3072x4xf32, #tpu.memory_space<vmem>>, vector<3072x4xf32>,
    %sub3A = arith.subf %min3A_45, %min3A_11 : vector<24x128xf32>
    %sub3A_78 = arith.subf %min3A_62, %min3A_28 : vector<24x128xf32>
    %mul3A = arith.mulf %sub3A, %sub3A_78 : vector<24x128xf32>
    %iota3A = tpu.iota {dimensions = array<i32: 0>} : vector<24x128xi32>
    %mul3A_79 = arith.constant 128 : i32
    %mul3A_80 = vector.broadcast %mul3A_79 : i32 to vector<24x128xi32>
    %mul3A_81 = arith.muli %iota3A, %mul3A_80 : vector<24x128xi32>
    %iota3A_82 = tpu.iota {dimensions = array<i32: 1>} : vector<24x128xi32>
    %add3A_83 = arith.addi %mul3A_81, %iota3A_82 : vector<24x128xi32>
    %broadcast_in_dim3A = arith.constant 1.000000e+00 : f32
    %broadcast_in_dim3A_84 = vector.broadcast %broadcast_in_dim3A : f32 to vector<24x128xf32>
    %scan3A = arith.constant 0 : i32
    %scan3A_85 = arith.constant 3000 : i32
    %scan3A_86 = arith.addi %scan3A, %scan3A_85 : i32
    %scan3A_87 = arith.constant 1 : i32
    %scan3A_88 = scf.for %scan3A_93 = %scan3A to %scan3A_86 step %scan3A_87 iter_args(%scan3A_94 = %broadcast_in_dim3A_84) -> (vector<24x128xf32>)  : i32 {
      %get3A_95 = arith.index_cast %scan3A_93 : i32 to index
      %get3A_96 = arith.constant 0 : index
      %get3A_97 = vector.load %arg5[%get3A_95, %get3A_96] : memref<3072x4xf32, #tpu.memory_space<vmem>>, vector<1x4xf32>
      %slice3A = vector.extract_strided_slice %get3A_97 {offsets = [0, 0], sizes = [1, 1], strides = [1, 1]} : vector<1x4xf32> to vector<1x1xf32>
      %slice3A_98 = vector.extract_strided_slice %get3A_97 {offsets = [0, 1], sizes = [1, 1], strides = [1, 1]} : vector<1x4xf32> to vector<1x1xf32>
      %slice3A_99 = vector.extract_strided_slice %get3A_97 {offsets = [0, 2], sizes = [1, 1], strides = [1, 1]} : vector<1x4xf32> to vector<1x1xf32>
      %slice3A_100 = vector.extract_strided_slice %get3A_97 {offsets = [0, 3], sizes = [1, 1], strides = [1, 1]} : vector<1x4xf32> to vector<1x1xf32>
      %eq3A = vector.broadcast %scan3A_93 : i32 to vector<24x128xi32>
      %eq3A_101 = arith.cmpi eq, %add3A_83, %eq3A : vector<24x128xi32>
      %jit3A_102 = arith.constant 0.000000e+00 : f32
      %broadcast_in_dim3A_103 = vector.broadcast %jit3A_102 : f32 to vector<24x128xf32>
      %select_n3A = arith.select %eq3A_101, %scan3A_94, %broadcast_in_dim3A_103 : vector<24x128xi1>, vector<24x128xf32>
      %reduce_sum3A = vector.shape_cast %select_n3A : vector<24x128xf32> to vector<1x24x128xf32>
      %reduce_sum3A_104 = arith.constant dense<0.000000e+00> : vector<1xf32>
      %reduce_sum3A_105 = vector.multi_reduction <add>, %reduce_sum3A, %reduce_sum3A_104 [1, 2] : vector<1x24x128xf32> to vector<1xf32>
      %reduce_sum3A_106 = vector.shape_cast %reduce_sum3A_105 : vector<1xf32> to vector<1x1x1xf32>
      %reduce_sum3A_107 = vector.extract %reduce_sum3A_106[0, 0, 0] : f32 from vector<1x1x1xf32>
      %sub3A_108 = arith.subf %slice3A_99, %slice3A : vector<1x1xf32>
      %sub3A_109 = arith.subf %slice3A_100, %slice3A_98 : vector<1x1xf32>
      %mul3A_110 = arith.mulf %sub3A_108, %sub3A_109 : vector<1x1xf32>
      %max3A_111 = vector.broadcast %slice3A : vector<1x1xf32> to vector<24x128xf32>
      %max3A_112 = arith.maximumf %max3A_111, %min3A_11 : vector<24x128xf32>
      %max3A_113 = vector.broadcast %slice3A_98 : vector<1x1xf32> to vector<24x128xf32>
      %max3A_114 = arith.maximumf %max3A_113, %min3A_28 : vector<24x128xf32>
      %min3A_115 = vector.broadcast %slice3A_99 : vector<1x1xf32> to vector<24x128xf32>
      %min3A_116 = arith.minimumf %min3A_115, %min3A_45 : vector<24x128xf32>
      %min3A_117 = vector.broadcast %slice3A_100 : vector<1x1xf32> to vector<24x128xf32>
      %min3A_118 = arith.minimumf %min3A_117, %min3A_62 : vector<24x128xf32>
      %sub3A_119 = arith.subf %min3A_116, %max3A_112 : vector<24x128xf32>
      %jit3A_120 = arith.constant 0.000000e+00 : f32
      %max3A_121 = vector.broadcast %jit3A_120 : f32 to vector<24x128xf32>
      %max3A_122 = arith.maximumf %max3A_121, %sub3A_119 : vector<24x128xf32>
      %sub3A_123 = arith.subf %min3A_118, %max3A_114 : vector<24x128xf32>
      %jit3A_124 = arith.constant 0.000000e+00 : f32
      %max3A_125 = vector.broadcast %jit3A_124 : f32 to vector<24x128xf32>
      %max3A_126 = arith.maximumf %max3A_125, %sub3A_123 : vector<24x128xf32>
      %mul3A_127 = arith.mulf %max3A_122, %max3A_126 : vector<24x128xf32>
      %add3A_128 = vector.broadcast %mul3A_110 : vector<1x1xf32> to vector<24x128xf32>
      %add3A_129 = arith.addf %add3A_128, %mul3A : vector<24x128xf32>
      %sub3A_130 = arith.subf %add3A_129, %mul3A_127 : vector<24x128xf32>
      %add3A_131 = arith.constant 9.99999971E-10 : f32
      %add3A_132 = vector.broadcast %add3A_131 : f32 to vector<24x128xf32>
      %add3A_133 = arith.addf %sub3A_130, %add3A_132 : vector<24x128xf32>
      %div3A = arith.divf %mul3A_127, %add3A_133 : vector<24x128xf32>
      %gt3A = arith.constant 6.000000e-01 : f32
      %gt3A_134 = vector.broadcast %gt3A : f32 to vector<24x128xf32>
      %gt3A_135 = arith.cmpf ogt, %div3A, %gt3A_134 : vector<24x128xf32>
      %gt3A_136 = vector.broadcast %scan3A_93 : i32 to vector<24x128xi32>
      %gt3A_137 = arith.cmpi sgt, %add3A_83, %gt3A_136 : vector<24x128xi32>
      %and3A = arith.andi %gt3A_135, %gt3A_137 : vector<24x128xi1>
      %gt3A_138 = arith.constant 5.000000e-01 : f32
      %gt3A_139 = arith.cmpf ogt, %reduce_sum3A_107, %gt3A_138 : f32
      %and3A_140 = vector.broadcast %gt3A_139 : i1 to vector<24x128xi1>
      %and3A_141 = arith.andi %and3A, %and3A_140 : vector<24x128xi1>
      %jit3A_142 = arith.constant 0.000000e+00 : f32
      %broadcast_in_dim3A_143 = vector.broadcast %jit3A_142 : f32 to vector<24x128xf32>
      %select_n3A_144 = arith.select %and3A_141, %broadcast_in_dim3A_143, %scan3A_94 : vector<24x128xi1>, vector<24x128xf32>
      scf.yield %select_n3A_144 : vector<24x128xf32>
    }
    %scan3A_89 = arith.constant 3000 : i32
    %swap3A_90 = arith.constant 0 : index
    %swap3A_91 = arith.constant 0 : index
    %swap3A_92 = vector.load %arg4[%swap3A_90, %swap3A_91] : memref<24x128xf32, #tpu.memory_space<vmem>>, vector<24x128xf32>
    tpu.vector_store %arg4[%swap3A_90, %swap3A_91], %scan3A_88 {strides = array<i32>} : memref<24x128xf32, #tpu.memory_space<vmem>>, vector<24x128xf32>,
    return
  }
}

</mosaic_0001>

<sc_bundles>
// kernel: gather_offload_async_start.1
scs
__scs_entry_jumppad:
0x0: {  	(pc) =	sbr.rel $0x88, $3  }
0x1: {  	(tag) =	ssettag $0x0;
	lr =	simm.s32 $0x1  }
0x2: {  	[smem:$0x3F9F] =	sst lr;
	_ =	strace $0xD0000000  }
0x3: {  	_ = 	snop  }
0x4: {  	_ = 	snop  }
0x5: {  	_ = 	snop  }
0x6: {  	_ = 	snop  }
0x7: {  	_ = 	snop  }
__scs_overlays_trampoline_lowered:
0x8: {  	[smem:$0x3FAE] =	sst s0  }
0x9: {  	[smem:$0x3FAF] =	sst s1  }
0xa: {  	[smem:$0x3FB0] =	sst s2  }
0xb: {  	[smem:$0x3FB1] =	sst s3  }
0xc: {  	[smem:$0x3FB2] =	sst s4  }
0xd: {  	[smem:$0x3FB3] =	sst s5  }
0xe: {  	[smem:$0x3FB4] =	sst s6  }
0xf: {  	[smem:$0x3FB5] =	sst s7  }
0x10: {  	[smem:$0x3FB6] =	sst s8  }
0x11: {  	[smem:$0x3FB7] =	sst s9;
	s0 =	simm.s32 @!p0 $0x0  }
0x12: {  	s1 =	sld [smem:$0x3F9D];
	s0 =	simm.s32 @p0 $0x1  }
0x13: {  	[smem:$0x3FB8] =	sst s0;
	s0 =	simm.s32 @!p1 $0x0  }
0x14: {  	s2 =	sld [smem:$0x3F9C];
	s0 =	simm.s32 @p1 $0x1  }
0x15: {  	[smem:$0x3FB9] =	sst s0;
	s0 =	simm.s32 @!p2 $0x0  }
0x16: {  	s3 =	sld [smem:$0x3FDB];
	s0 =	simm.s32 @p2 $0x1  }
0x17: {  	s4 =	simm.s32 $0x1BF5;
	[smem:$0x3FBB] =	sst s0  }
0x18: {  	s0 =	sld [smem:$0x3F9E];
	_ =	swait.ge [sflag:s4], $0x0  }
0x19: {  	s7 =	sld [smem:$0x3F9F]  }
0x1a: {  	s8 =	sadd.s32 $0xFFFFE003, lr  }
0x1b: {  	s9 =	sadd.s32 $0xFFFFFEF7, lr;
	s5 =	simm.s32 $0xFFFFFFFF;
	p2 =	slt.u32 s8, $0xFFFFF086  }
0x1c: {  	p1 =	slt.u32 s9, $0xF7A;
	s5 =	simm.s32 @!p2 $0x0  }
0x1d: {  	s5 =	simm.s32 @p1 $0x1;
	p0 =	seq.s32 s7, s2  }
0x1e: {  	s7 =	smul.u32 @!p0 $0xF7A, s2;
	p2 =	seq.s32 @!p0 s5, $0x0  }
0x1f: {  	s9 =	smul.u32 $0xF7A, s1;
	s8 =	simm.s32 @!p0 $0x1BF5;
	p2 =	por !p2, p0  }
0x20: {  	[sflag:s8] =	ssyncset.s32 @!p0 $0xFFFFF086;
	s6 =	sadd.s32 @!p0 s3, s7;
	s7 =	simm.s32 @!p0 $0x108  }
0x21: {  	s3 =	sadd.s32 s3, s9;
	s6 =	sadd.s32 @!p0 $0x88, s6;
	s7 =	simm.s32 @p2 $0x1082  }
0x22: {  	[simem:s7], [sflag:s8] =	dma.local @!p0 [hbm:s6], $0xF7A  }
0x23: {  	s9 =	sor.u32 $0xD0000000, s2;
	s6 =	simm.s32 $0x108;
	_ =	swait.ge @!p0 [sflag:s8], $0x0  }
0x24: {  	s3 =	sadd.s32 $0x88, s3;
	s6 =	simm.s32 @!p1 $0x1082;
	[sflag:s4] =	ssyncset.s32 $0xFFFFF086  }
0x25: {  	[simem:s6], [sflag:s4] =	dma.local [hbm:s3], $0xF7A  }
0x26: {  	[smem:$0x3F9F] =	sst s1;
	(tag) =	ssettag s2;
	_ =	strace s9  }
0x27: {  	s1 =	sld [smem:$0x3FAF]  }
0x28: {  	s2 =	sld [smem:$0x3FB0]  }
0x29: {  	s4 =	sld [smem:$0x3FB2]  }
0x2a: {  	p0 =	seq.s32 s5, $0x0;
	s5 =	sld [smem:$0x3FB3]  }
0x2b: {  	s6 =	sld [smem:$0x3FB4]  }
0x2c: {  	s7 =	sld [smem:$0x3FB5]  }
0x2d: {  	s3 =	simm.s32 $0x108;
	s8 =	sld [smem:$0x3FB6]  }
0x2e: {  	s3 =	simm.s32 @!p0 $0x1082;
	s9 =	sld [smem:$0x3FB7]  }
0x2f: {  	lr =	sadd.s32 s0, s3;
	s0 =	sld [smem:$0x3FAE]  }
0x30: {  	s3 =	sld [smem:$0x3FB1]  }
0x31: {  	[smem:$0x3FBA] =	sst s10  }
0x32: {  	s10 =	sld [smem:$0x3FB8];
	_ =	sdelay $0x3  }
0x33: {  	p0 =	seq.s32 s10, $0x1;
	s10 =	sld [smem:$0x3FBA];
	_ =	sdelay $0x3  }
0x34: {  	[smem:$0x3FBA] =	sst s10  }
0x35: {  	s10 =	sld [smem:$0x3FB9];
	_ =	sdelay $0x3  }
0x36: {  	p1 =	seq.s32 s10, $0x1;
	s10 =	sld [smem:$0x3FBA];
	_ =	sdelay $0x3  }
0x37: {  	[smem:$0x3FBA] =	sst s10  }
0x38: {  	s10 =	sld [smem:$0x3FBB]  }
0x39: {  	_ = 	snop;
	(pc) =	sbr.ind lr, $3  }
0x3a: {  	_ = 	snop  }
0x3b: {  	_ = 	snop  }
0x3c: {  	p2 =	seq.s32 s10, $0x1;
	s10 =	sld [smem:$0x3FBA]  }
0x3d: {  	_ =	shalt  }
0x3e: {  	_ =	shalt  }
0x3f: {  	_ =	shalt  }
0x40: {  	_ =	shalt  }
0x41: {  	_ =	shalt  }
0x42: {  	_ =	shalt  }
0x43: {  	_ =	shalt  }
0x44: {  	_ =	shalt  }
0x45: {  	_ =	shalt  }
0x46: {  	_ =	shalt  }
0x47: {  	_ =	shalt  }
0x48: {  	_ =	shalt  }
0x49: {  	_ =	shalt  }
0x4a: {  	_ =	shalt  }
0x4b: {  	_ =	shalt  }
0x4c: {  	_ =	shalt  }
0x4d: {  	_ =	shalt  }
0x4e: {  	_ =	shalt  }
0x4f: {  	_ =	shalt  }
0x50: {  	_ =	shalt  }
0x51: {  	_ =	shalt  }
0x52: {  	_ =	shalt  }
0x53: {  	_ =	shalt  }
0x54: {  	_ =	shalt  }
0x55: {  	_ =	shalt  }
0x56: {  	_ =	shalt  }
0x57: {  	_ =	shalt  }
0x58: {  	_ =	shalt  }
0x59: {  	_ =	shalt  }
0x5a: {  	_ =	shalt  }
0x5b: {  	_ =	shalt  }
0x5c: {  	_ =	shalt  }
0x5d: {  	_ =	shalt  }
0x5e: {  	_ =	shalt  }
0x5f: {  	_ =	shalt  }
0x60: {  	_ =	shalt  }
0x61: {  	_ =	shalt  }
0x62: {  	_ =	shalt  }
0x63: {  	_ =	shalt  }
0x64: {  	_ =	shalt  }
0x65: {  	_ =	shalt  }
0x66: {  	_ =	shalt  }
0x67: {  	_ =	shalt  }
0x68: {  	_ =	shalt  }
0x69: {  	_ =	shalt  }
0x6a: {  	_ =	shalt  }
0x6b: {  	_ =	shalt  }
0x6c: {  	_ =	shalt  }
0x6d: {  	_ =	shalt  }
0x6e: {  	_ =	shalt  }
0x6f: {  	_ =	shalt  }
0x70: {  	_ =	shalt  }
0x71: {  	_ =	shalt  }
0x72: {  	_ =	shalt  }
0x73: {  	_ =	shalt  }
0x74: {  	_ =	shalt  }
0x75: {  	_ =	shalt  }
0x76: {  	_ =	shalt  }
0x77: {  	_ =	shalt  }
0x78: {  	_ =	shalt  }
0x79: {  	_ =	shalt  }
0x7a: {  	_ =	shalt  }
0x7b: {  	_ =	shalt  }
0x7c: {  	_ =	shalt  }
0x7d: {  	_ =	shalt  }
0x7e: {  	_ =	shalt  }
0x7f: {  	_ =	shalt  }
0x80: {  	_ =	shalt  }
0x81: {  	_ =	shalt  }
0x82: {  	_ =	shalt  }
0x83: {  	_ =	shalt  }
0x84: {  	_ =	shalt  }
0x85: {  	_ =	shalt  }
0x86: {  	_ =	shalt  }
0x87: {  	_ =	shalt  }
.Lfunc_end0:
.L_simem_size_0:
called_computation.1_lowered:
.L_overlay_start_0:
0x88: {  	s0 =	sld [smem:$0x3FD9]  }
0x89: {  	s1 =	sld [smem:$0x3FFE];
	_ =	sdelay $0x3  }
0x8a: {  	s0 =	sadd.s32 s1, s0  }
0x8b: {  	[smem:$0x3FC6] =	sst s0  }
0x8c: {  	_ = 	snop  }
0x8d: {  	(tm) =	ssettm $0x1  }
0x8e: {  	s15 =	sld [smem:$0x3FFB];
	_ =	sdelay $0x3  }
0x8f: {  	_ =	strace s15  }
0x90: {  	s0 =	sld [smem:$0x3FFC];
	_ =	sdelay $0x3  }
0x91: {  	_ =	strace s0  }
0x92: {  	s0 =	sld [smem:$0x3FFD];
	_ =	sdelay $0x3  }
0x93: {  	_ =	strace s0  }
0x94: {  	_ =	strace $0x8FFFFFFF  }
0x95: {  	s16 =	sld [smem:$0x3FDB];
	_ =	sdelay $0x1  }
0x96: {  	s17 =	simm.s32 $_scs_section_size  }
0x97: {  	s2 =	simm.s32 $_size__tile_overlayer_lowered;
	s3 =	simm.s32 $_tile_overlayer_lowered  }
0x98: {  	s20 =	simm.s32 $0x1BFF;
	s19 =	sshll.u32 s3, $0x1;
	s0 =	sadd.s32 s17, s16  }
0x99: {  	s4 =	simm.s32 $0x0;
	s18 =	sshll.u32 s2, $0x1;
	s2 =	sadd.s32 s19, s0  }
0x9a: {  	[timem:s4], [sflag:s20] =	dma.local [hbm:s2], s18  }
0x9b: {  	_ =	swait.ge [sflag:s20], s18  }
0x9c: {  	s1 =	ssub.s32 $0x0, s18;
	[sflag:s20] =	ssyncset.done $0x0  }
0x9d: {  	[sflag:s20] =	ssyncadd.s32 s1;
	_ =	sdelay $0x1  }
0x9e: {  	s21 =	simm.s32 $0x1B8B  }
0x9f: {  	_ =	swait.ge [sflag:s21], $0x1  }
0xa0: {  	[sflag:s21] =	ssyncset.done $0x0  }
0xa1: {  	s23 =	simm.s32 $0x1B8E;
	s22 =	sld [smem:$0x3FFE];
	[sflag:s21] =	ssyncadd.s32 $0xFFFFFFFF  }
0xa2: {  	s24 =	simm.s32 $execute0_lowered;
	[smem:$0x3FD2] =	sst s23  }
0xa3: {  	s2 =	sshll.u32 s24, $0x1;
	_ =	strace $0x80000046;
	[dreg:$0x1] =	wrdreg $0xFFFFFFFF  }
0xa4: {  	s25 =	simm.s32 $_size_execute0_lowered;
	s0 =	sadd.s32 s0, s2;
	[dreg:$0x0] =	wrdreg $0x0  }
0xa5: {  	s2 =	sshll.u32 s25, $0x1;
	[dreg:$0x2] =	wrdreg s0  }
0xa6: {  	[dreg:$0x3] =	wrdreg s2  }
0xa7: {  	[dreg:$0x4] =	wrdreg $0xC0  }
0xa8: {  	_ =	task [dreg:s4], $0x5FFFF  }
0xa9: {  	[dreg:$0x1] =	wrdreg $0xFFFFFFFF  }
0xaa: {  	[dreg:$0x0] =	wrdreg $0x60  }
0xab: {  	[dreg:$0x2] =	wrdreg s22  }
0xac: {  	[dreg:$0x3] =	wrdreg $0x9  }
0xad: {  	_ =	task.clear_ibuf [dreg:s4], $0x4FFFF;
	_ =	strace $0x90000046  }
0xae: {  	s26 =	simm.s32 $0x9;
	_ =	strace $0x80000048  }
0xaf: {  	_ =	swait.ge [sflag:s26], $0x1  }
0xb0: {  	[sflag:s26] =	ssyncadd.s32 $0xFFFFFFFF  }
0xb1: {  	_ =	strace $0x90000048  }
0xb2: {  	_ =	sfence  }
0xb3: {  	s28 =	sld [smem:$0x0];
	_ =	sdelay $0x1  }
0xb4: {  	s29 =	srdreg.scid  }
0xb5: {  	s30 =	sshll.u32 s29, $0xD;
	s31 =	sshrl.u32 s29, $0x2  }
0xb6: {  	s1 =	sand.u32 $0x1, s29;
	s2 =	sand.u32 $0x4000, s30;
	s0 =	sadd.s32 s31, s28  }
0xb7: {  	s1 =	sor.u32 s2, s1;
	s0 =	sshll.u32 s0, $0x11  }
0xb8: {  	s0 =	sor.u32 s0, s1  }
0xb9: {  	s0 =	sadd.s32 $0x8F2B, s0  }
0xba: {  	[sflag:s0] =	ssyncadd.remote.s32 $0x1  }
0xbb: {  	_ =	sfence.sel $0xFFFF  }
0xbc: {  	[dreg:$0x0] =	wrdreg $0xFFFFFFFF;
	(pc) =	sbr.abs _section_cstart, $3  }
0xbd: {  	[dreg:$0x1] =	wrdreg $0xFFFFFFFF  }
0xbe: {  	_ =	task.clear_ibuf [dreg:s4], $0x2FFFF;
	_ =	strace $0x9FFFFFFF  }
0xbf: {  	(tm) =	ssettm $0x7FFFFFFF  }
tec
execute0_lowered:
.L_overlay_start_1:
0x0: {  	(tag) =	ssettag $0x1  }
0x1: {  	s0 =	stileid.u32  }
0x2: {  	s1 =	smin.u32 s0, $0x9  }
0x3: {  	s1 =	sadd.s32 s0, s1  }
0x4: {  	p0 =	slt.u32 s0, $0x9;
	s2 =	smul.u32 $0x78, s1;
	s1 =	simm.s32 $0xF0  }
0x5: {  	s1 =	simm.s32 @!p0 $0x78  }
0x6: {  	s1 =	sadd.s32 s1, s2  }
0x7: {  	s3 =	smin.u32 s1, $0xBB8  }
0x8: {  	s7 =	ssub.s32 s3, s2  }
0x9: {  	p0 =	sgt.s32 s7, $0x0  }
0xa: {  	s7 =	simm.s32 @!p0 $0x0  }
0xb: {  	s31 =	smul.u32 $0x8889, s7  }
0xc: {  	s4 =	rddreg [dreg:$0x0];
	s6 =	simm.s32 $0x1  }
0xd: {  	s10 =	simm.s32 $0x3;
	s13 =	simm.s32 $0x0;
	s8 =	sshrl.u32 s31, $0x16  }
0xe: {  	s12 =	simm.s32 $0x0;
	s5 =	sadd.s32 $0x1FE400, s4;
	s9 =	smul.u32 $0x78, s8  }
.Ltmp0:
0xf: {  	s11 =	smov.u32 s2;
	s1 =	rddreg [dreg:$0x1];
	(pc) =	sbr.rel .LBB2_1-.Ltmp0, $4  }
0x10: {  	_ =	strace $0x80000047;
	p0 =	sne.s32 s7, s9;
	s9 =	simm.s32 $0x1  }
0x11: {  	[sflag:s6] =	ssyncpa.u1 $0x0;
	s7 =	simm.s32 $0x2;
	s9 =	simm.s32 @!p0 $0x0  }
0x12: {  	[sflag:s7] =	ssyncpa.u1 $0x0;
	p0 =	por $0x0, $0x0;
	s8 =	sadd.s32 s8, s9  }
0x13: {  	vm0 =	vmmov $0xff;
	vm1 =	vcmask $0x3F20;
	s9 =	sadd.s32 $0x1FE600, s4;
	[sflag:s10] =	ssyncpa.u1 $0x0;
	s10 =	sadd.s32 $0x1, s8  }
.LBB2_6:
0x14: {  	[hbm:s17] =	stream.linear.scatter [tilespmem:s14], [sflag:$0x3], $0x400, $0x38;
	[tilespmem:$0x78F0] =	vst v63  }
.LBB2_7:
0x15: {  	s13 =	sadd.s32 $0x78, s11  }
0x16: {  	s15 =	smov.u32 s2;
	p2 =	slt.s32 s13, s3  }
0x17: {  	s15 =	smov.u32 @p2 s13;
	p2 =	sne.s32 s12, s10  }
.Ltmp1:
0x18: {  	p1 =	slt.u32 s12, $0x2;
	(pc) =	sbr.rel @!p2 .LBB2_8-.Ltmp1, $4  }
0x19: {  	s14 =	simm.s32 @!p1 $0x3  }
0x1a: {  	s16 =	sadd.s32 $0x1, s12;
	_ =	swait.ge @!p1 [sflag:s14], $0x3C00  }
0x1b: {  	p0 =	por !p0, !p0;
	s13 =	smov.u32 s11;
	[sflag:s14] =	ssyncset.done @!p1 $0x0  }
0x1c: {  	s12 =	smov.u32 s16;
	s11 =	smov.u32 s15;
	[sflag:s14] =	ssyncadd.s32 @!p1 $0xFFFFC400  }
.LBB2_1:
0x1d: {  	p1 =	sge.u32 s12, s8  }
0x1e: {  	s14 =	sxor.u32 @!p1 $0xFFFFFFFF, s12  }
0x1f: {  	s14 =	sand.u32 @!p1 $0x1, s14  }
0x20: {  	s14 =	smul.u32 @!p1 $0x1E0, s14  }
0x21: {  	s31 =	sadd.s32 $0xFFFFFFFF, s12;
	s15 =	sshrl.u32 @!p1 s11, $0x3  }
0x22: {  	s16 =	sand.u32 @!p1 $0x7, s11;
	s15 =	sadd.s32 @!p1 s5, s15;
	s14 =	sshrl.u32 @!p1 s14, $0x2  }
0x23: {  	[tilespmem:s14], [sflag:$0x2] =	stream.linear.gather @!p1 [hbm4b:s15+s16], $0x78, $0x38;
	[tilespmem:$0x78F0] =	vst v63  }
0x24: {  	p1 =	sge.u32 s31, s8  }
.Ltmp2:
0x25: {  	_ = 	snop;
	(pc) =	sbr.rel @p1 .LBB2_7-.Ltmp2, $1  }
0x26: {  	_ =	sdelay $0x3  }
0x27: {  	s14 =	simm.s32 $0x1  }
0x28: {  	s14 =	simm.s32 @!p0 $0x0  }
0x29: {  	s15 =	smul.u32 $0x1E0, s14  }
0x2a: {  	_ =	swait.ge [sflag:s7], $0x78  }
0x2b: {  	[sflag:s7] =	ssyncset.done $0x0;
	s16 =	sshrl.u32 s15, $0x2  }
0x2c: {  	[sflag:s7] =	ssyncadd.s32 $0xFFFFFF88;
	s15 =	sadd.s32 $0x0, s16  }
0x2d: {  	v0 =	vld.msk [tilespmem:s15+$0x0 ss:$0x1], $0xffff;
	_ =	sdelay $0x4  }
0x2e: {  	vm2 =	vgt.s32 v0, $0x0  }
0x2f: {  	v0 =	vnsel vm2, $0x0, v0  }
0x30: {  	v0 =	vmin.u32 v0, $0x1FA3F  }
0x31: {  	v0 =	vshll.u32 v0, $0x4  }
0x32: {  	s14 =	smul.u32 $0xF000, s14  }
0x33: {  	s31 =	sand.u32 $0x1, s12  }
0x34: {  	s17 =	smul.u32 $0x1E0, s31;
	s14 =	sshrl.u32 s14, $0x2  }
0x35: {  	s19 =	smul.u32 $0xF000, s31;
	s14 =	sor.u32 $0xF0, s14  }
0x36: {  	[tilespmem:s14], [sflag:$0x1] =	stream.indirect_vreg.gather [hbm:s4], $0x80, v0, vm0, $0x38;
	[tilespmem:$0x78F0] =	vst v63  }
0x37: {  	s18 =	sshrl.u32 s17, $0x2;
	s20 =	sadd.s32 $0x10, s16;
	s15 =	sadd.s32 $0x400, s14  }
0x38: {  	[tilespmem:s15], [sflag:$0x1] =	stream.indirect_vreg.gather [hbm:s4], $0x80, v0, vm1, $0x38;
	[tilespmem:$0x78F0] =	vst v63  }
0x39: {  	s17 =	sshrl.u32 s19, $0x2;
	s19 =	smov.u32 s14;
	v0 =	vld.msk [tilespmem:s20+$0x0 ss:$0x1], $0xffff;
	s20 =	simm.s32 $0x80  }
.LBB2_3:
0x3a: {  	p1 =	sne.s32 s20, $0x180;
	_ =	sdelay $0x4  }
0x3b: {  	vm2 =	vgt.s32 v0, $0x0  }
0x3c: {  	v0 =	vnsel vm2, $0x0, v0  }
0x3d: {  	v0 =	vmin.u32 v0, $0x1FA3F  }
0x3e: {  	v0 =	vshll.u32 v0, $0x4;
	_ =	sdelay $0x3  }
.Ltmp3:
0x3f: {  	s21 =	sshra.s32 s20, $0x2;
	s19 =	sadd.s32 $0x800, s19;
	(pc) =	sbr.rel @p1 .LBB2_3-.Ltmp3, $4  }
0x40: {  	[tilespmem:s19], [sflag:$0x1] =	stream.indirect_vreg.gather [hbm:s4], $0x80, v0, vm0, $0x38;
	[tilespmem:$0x78F0] =	vst v63  }
0x41: {  	s21 =	sadd.s32 s21, s16;
	s22 =	sadd.s32 $0x400, s19  }
0x42: {  	[tilespmem:s22], [sflag:$0x1] =	stream.indirect_vreg.gather [hbm:s4], $0x80, v0, vm1, $0x38;
	[tilespmem:$0x78F0] =	vst v63  }
0x43: {  	s20 =	sadd.s32 $0x40, s20;
	v0 =	vld.msk [tilespmem:s21+$0x0 ss:$0x1], $0xffff  }
0x44: {  	_ =	sdelay $0x3  }
0x45: {  	vm2 =	vgt.s32 v0, $0x0  }
0x46: {  	v0 =	vnsel vm2, $0x0, v0  }
0x47: {  	v0 =	vmin.u32 v0, $0x1FA3F  }
0x48: {  	v0 =	vshll.u32 v0, $0x4;
	_ =	sdelay $0x3  }
0x49: {  	s16 =	sadd.s32 $0x800, s19  }
0x4a: {  	[tilespmem:s16], [sflag:$0x1] =	stream.indirect_vreg.gather [hbm:s4], $0x80, v0, vm0, $0x38;
	[tilespmem:$0x78F0] =	vst v63  }
0x4b: {  	s16 =	sadd.s32 $0x400, s16  }
0x4c: {  	[tilespmem:s16], [sflag:$0x1] =	stream.indirect_vreg.gather [hbm:s4], $0x80, v0, vm1, $0x38;
	[tilespmem:$0x78F0] =	vst v63  }
0x4d: {  	v0 =	vld.msk [tilespmem:s18+$0x70 ss:$0x1], $0xff;
	_ =	sdelay $0x4  }
0x4e: {  	vm2 =	vgt.s32 v0, $0x0  }
0x4f: {  	v0 =	vnsel vm2, $0x0, v0  }
0x50: {  	v0 =	vmin.u32 v0, $0x1FA3F  }
0x51: {  	v0 =	vshll.u32 v0, $0x4;
	_ =	sdelay $0x3  }
0x52: {  	s31 =	sadd.s32 $0x38F0, s17  }
0x53: {  	[tilespmem:s31], [sflag:$0x1] =	stream.indirect_vreg.gather [hbm:s4], $0x80, v0, vm0, $0x38;
	[tilespmem:$0x78F0] =	vst v63  }
0x54: {  	s13 =	sshll.u32 s13, $0x4;
	_ =	swait.ge [sflag:s6], $0x3C00  }
0x55: {  	s13 =	sadd.s32 s13, s9;
	[sflag:s6] =	ssyncset.done $0x0  }
0x56: {  	s17 =	sadd.s32 $0x0, s13;
	s16 =	simm.s32 $0x80;
	[sflag:s6] =	ssyncadd.s32 $0xFFFFC400  }
.LBB2_5:
0x57: {  	[hbm:s17] =	stream.linear.scatter [tilespmem:s14], [sflag:$0x3], $0x400, $0x38;
	[tilespmem:$0x78F0] =	vst v63  }
0x58: {  	s17 =	smov.u32 s16;
	s14 =	smov.u32 s15;
	p1 =	sne.s32 s16, $0x700  }
.Ltmp4:
0x59: {  	s16 =	sadd.s32 $0x80, s16;
	(pc) =	sbr.rel @p1 .LBB2_5-.Ltmp4, $2  }
0x5a: {  	_ =	sdelay $0x2  }
0x5b: {  	s15 =	sadd.s32 $0x400, s15;
	s17 =	sadd.s32 s17, s13  }
.Ltmp5:
0x5c: {  	_ = 	snop;
	(pc) =	sbr.rel .LBB2_6-.Ltmp5, $1  }
0x5d: {  	_ =	sdelay $0x3  }
.LBB2_8:
0x5e: {  	_ =	sfence.sel $0x180000  }
0x5f: {  	s2 =	simm.s32 $0x2;
	[bflag:$0x0] =	sbarrier.arrive $0xFFFF  }
0x60: {  	s30 =	simm.s32 $0x3;
	[sflag:s2] =	ssyncpa.u1 $0x1  }
0x61: {  	s31 =	simm.s32 $0x1;
	[sflag:s30] =	ssyncpa.u1 $0x1  }
0x62: {  	[sflag:s31] =	ssyncpa.u1 $0x1  }
0x63: {  	p0 =	sne.s32 s0, $0x0;
	_ =	strace $0x90000047  }
0x64: {  	s0 =	sadd.s32 @!p0 $0x100000, s1;
	[bflag:$0x2] =	sbarrier.arrive $0xFFFF  }
0x65: {  	[sflag:s0] =	ssyncadd.tile.s32 @!p0 $0x1;
	_ =	shalt  }
.Lfunc_end2:
_tile_overlayer_lowered:
.L_overlay_start_2:
0x66: {  	(tag) =	ssettag $0x2  }
0x67: {  	s0 =	rddreg [dreg:$0x0];
	s2 =	stileid.u32  }
0x68: {  	s1 =	rddreg [dreg:$0x1];
	p0 =	sne.s32 s2, $0x0  }
0x69: {  	s3 =	rddreg [dreg:$0x2];
	[bflag:$0x3] =	sbarrier.arrive $0xFFFF;
	s2 =	simm.s32 @!p0 $0x1C01  }
0x6a: {  	[timem:s3], [sflag:s2] =	dma.local @!p0 [hbm:s0], s1  }
0x6b: {  	s0 =	simm.s32 @!p0 $0x1  }
0x6c: {  	_ =	swait.ge @!p0 [sflag:s0], s1  }
0x6d: {  	s1 =	ssub.s32 @!p0 $0x0, s1;
	[sflag:s0] =	ssyncset.done @!p0 $0x0  }
0x6e: {  	[sflag:s0] =	ssyncadd.s32 @!p0 s1  }
0x6f: {  	[bflag:$0x3] =	sbarrier.arrive $0xFFFF  }
0x70: {  	_ =	shalt  }

// kernel: gather_offload_async_start.2
scs
__scs_entry_jumppad:
0x0: {  	(pc) =	sbr.rel $0x88, $3  }
0x1: {  	(tag) =	ssettag $0x0;
	lr =	simm.s32 $0x1  }
0x2: {  	[smem:$0x3F9F] =	sst lr;
	_ =	strace $0xD0000000  }
0x3: {  	_ = 	snop  }
0x4: {  	_ = 	snop  }
0x5: {  	_ = 	snop  }
0x6: {  	_ = 	snop  }
0x7: {  	_ = 	snop  }
__scs_overlays_trampoline_lowered:
0x8: {  	[smem:$0x3FAE] =	sst s0  }
0x9: {  	[smem:$0x3FAF] =	sst s1  }
0xa: {  	[smem:$0x3FB0] =	sst s2  }
0xb: {  	[smem:$0x3FB1] =	sst s3  }
0xc: {  	[smem:$0x3FB2] =	sst s4  }
0xd: {  	[smem:$0x3FB3] =	sst s5  }
0xe: {  	[smem:$0x3FB4] =	sst s6  }
0xf: {  	[smem:$0x3FB5] =	sst s7  }
0x10: {  	[smem:$0x3FB6] =	sst s8  }
0x11: {  	[smem:$0x3FB7] =	sst s9;
	s0 =	simm.s32 @!p0 $0x0  }
0x12: {  	s1 =	sld [smem:$0x3F9D];
	s0 =	simm.s32 @p0 $0x1  }
0x13: {  	[smem:$0x3FB8] =	sst s0;
	s0 =	simm.s32 @!p1 $0x0  }
0x14: {  	s2 =	sld [smem:$0x3F9C];
	s0 =	simm.s32 @p1 $0x1  }
0x15: {  	[smem:$0x3FB9] =	sst s0;
	s0 =	simm.s32 @!p2 $0x0  }
0x16: {  	s3 =	sld [smem:$0x3FDB];
	s0 =	simm.s32 @p2 $0x1  }
0x17: {  	s4 =	simm.s32 $0x1BF5;
	[smem:$0x3FBB] =	sst s0  }
0x18: {  	s0 =	sld [smem:$0x3F9E];
	_ =	swait.ge [sflag:s4], $0x0  }
0x19: {  	s7 =	sld [smem:$0x3F9F]  }
0x1a: {  	s8 =	sadd.s32 $0xFFFFE003, lr  }
0x1b: {  	s9 =	sadd.s32 $0xFFFFFEF7, lr;
	s5 =	simm.s32 $0xFFFFFFFF;
	p2 =	slt.u32 s8, $0xFFFFF086  }
0x1c: {  	p1 =	slt.u32 s9, $0xF7A;
	s5 =	simm.s32 @!p2 $0x0  }
0x1d: {  	s5 =	simm.s32 @p1 $0x1;
	p0 =	seq.s32 s7, s2  }
0x1e: {  	s7 =	smul.u32 @!p0 $0xF7A, s2;
	p2 =	seq.s32 @!p0 s5, $0x0  }
0x1f: {  	s9 =	smul.u32 $0xF7A, s1;
	s8 =	simm.s32 @!p0 $0x1BF5;
	p2 =	por !p2, p0  }
0x20: {  	[sflag:s8] =	ssyncset.s32 @!p0 $0xFFFFF086;
	s6 =	sadd.s32 @!p0 s3, s7;
	s7 =	simm.s32 @!p0 $0x108  }
0x21: {  	s3 =	sadd.s32 s3, s9;
	s6 =	sadd.s32 @!p0 $0x88, s6;
	s7 =	simm.s32 @p2 $0x1082  }
0x22: {  	[simem:s7], [sflag:s8] =	dma.local @!p0 [hbm:s6], $0xF7A  }
0x23: {  	s9 =	sor.u32 $0xD0000000, s2;
	s6 =	simm.s32 $0x108;
	_ =	swait.ge @!p0 [sflag:s8], $0x0  }
0x24: {  	s3 =	sadd.s32 $0x88, s3;
	s6 =	simm.s32 @!p1 $0x1082;
	[sflag:s4] =	ssyncset.s32 $0xFFFFF086  }
0x25: {  	[simem:s6], [sflag:s4] =	dma.local [hbm:s3], $0xF7A  }
0x26: {  	[smem:$0x3F9F] =	sst s1;
	(tag) =	ssettag s2;
	_ =	strace s9  }
0x27: {  	s1 =	sld [smem:$0x3FAF]  }
0x28: {  	s2 =	sld [smem:$0x3FB0]  }
0x29: {  	s4 =	sld [smem:$0x3FB2]  }
0x2a: {  	p0 =	seq.s32 s5, $0x0;
	s5 =	sld [smem:$0x3FB3]  }
0x2b: {  	s6 =	sld [smem:$0x3FB4]  }
0x2c: {  	s7 =	sld [smem:$0x3FB5]  }
0x2d: {  	s3 =	simm.s32 $0x108;
	s8 =	sld [smem:$0x3FB6]  }
0x2e: {  	s3 =	simm.s32 @!p0 $0x1082;
	s9 =	sld [smem:$0x3FB7]  }
0x2f: {  	lr =	sadd.s32 s0, s3;
	s0 =	sld [smem:$0x3FAE]  }
0x30: {  	s3 =	sld [smem:$0x3FB1]  }
0x31: {  	[smem:$0x3FBA] =	sst s10  }
0x32: {  	s10 =	sld [smem:$0x3FB8];
	_ =	sdelay $0x3  }
0x33: {  	p0 =	seq.s32 s10, $0x1;
	s10 =	sld [smem:$0x3FBA];
	_ =	sdelay $0x3  }
0x34: {  	[smem:$0x3FBA] =	sst s10  }
0x35: {  	s10 =	sld [smem:$0x3FB9];
	_ =	sdelay $0x3  }
0x36: {  	p1 =	seq.s32 s10, $0x1;
	s10 =	sld [smem:$0x3FBA];
	_ =	sdelay $0x3  }
0x37: {  	[smem:$0x3FBA] =	sst s10  }
0x38: {  	s10 =	sld [smem:$0x3FBB]  }
0x39: {  	_ = 	snop;
	(pc) =	sbr.ind lr, $3  }
0x3a: {  	_ = 	snop  }
0x3b: {  	_ = 	snop  }
0x3c: {  	p2 =	seq.s32 s10, $0x1;
	s10 =	sld [smem:$0x3FBA]  }
0x3d: {  	_ =	shalt  }
0x3e: {  	_ =	shalt  }
0x3f: {  	_ =	shalt  }
0x40: {  	_ =	shalt  }
0x41: {  	_ =	shalt  }
0x42: {  	_ =	shalt  }
0x43: {  	_ =	shalt  }
0x44: {  	_ =	shalt  }
0x45: {  	_ =	shalt  }
0x46: {  	_ =	shalt  }
0x47: {  	_ =	shalt  }
0x48: {  	_ =	shalt  }
0x49: {  	_ =	shalt  }
0x4a: {  	_ =	shalt  }
0x4b: {  	_ =	shalt  }
0x4c: {  	_ =	shalt  }
0x4d: {  	_ =	shalt  }
0x4e: {  	_ =	shalt  }
0x4f: {  	_ =	shalt  }
0x50: {  	_ =	shalt  }
0x51: {  	_ =	shalt  }
0x52: {  	_ =	shalt  }
0x53: {  	_ =	shalt  }
0x54: {  	_ =	shalt  }
0x55: {  	_ =	shalt  }
0x56: {  	_ =	shalt  }
0x57: {  	_ =	shalt  }
0x58: {  	_ =	shalt  }
0x59: {  	_ =	shalt  }
0x5a: {  	_ =	shalt  }
0x5b: {  	_ =	shalt  }
0x5c: {  	_ =	shalt  }
0x5d: {  	_ =	shalt  }
0x5e: {  	_ =	shalt  }
0x5f: {  	_ =	shalt  }
0x60: {  	_ =	shalt  }
0x61: {  	_ =	shalt  }
0x62: {  	_ =	shalt  }
0x63: {  	_ =	shalt  }
0x64: {  	_ =	shalt  }
0x65: {  	_ =	shalt  }
0x66: {  	_ =	shalt  }
0x67: {  	_ =	shalt  }
0x68: {  	_ =	shalt  }
0x69: {  	_ =	shalt  }
0x6a: {  	_ =	shalt  }
0x6b: {  	_ =	shalt  }
0x6c: {  	_ =	shalt  }
0x6d: {  	_ =	shalt  }
0x6e: {  	_ =	shalt  }
0x6f: {  	_ =	shalt  }
0x70: {  	_ =	shalt  }
0x71: {  	_ =	shalt  }
0x72: {  	_ =	shalt  }
0x73: {  	_ =	shalt  }
0x74: {  	_ =	shalt  }
0x75: {  	_ =	shalt  }
0x76: {  	_ =	shalt  }
0x77: {  	_ =	shalt  }
0x78: {  	_ =	shalt  }
0x79: {  	_ =	shalt  }
0x7a: {  	_ =	shalt  }
0x7b: {  	_ =	shalt  }
0x7c: {  	_ =	shalt  }
0x7d: {  	_ =	shalt  }
0x7e: {  	_ =	shalt  }
0x7f: {  	_ =	shalt  }
0x80: {  	_ =	shalt  }
0x81: {  	_ =	shalt  }
0x82: {  	_ =	shalt  }
0x83: {  	_ =	shalt  }
0x84: {  	_ =	shalt  }
0x85: {  	_ =	shalt  }
0x86: {  	_ =	shalt  }
0x87: {  	_ =	shalt  }
.Lfunc_end0:
.L_simem_size_0:
called_computation.2_lowered:
.L_overlay_start_0:
0x88: {  	s0 =	sld [smem:$0x3FD9]  }
0x89: {  	s1 =	sld [smem:$0x3FFE];
	_ =	sdelay $0x3  }
0x8a: {  	s0 =	sadd.s32 s1, s0  }
0x8b: {  	[smem:$0x3FC6] =	sst s0  }
0x8c: {  	_ = 	snop  }
0x8d: {  	(tm) =	ssettm $0x1  }
0x8e: {  	s15 =	sld [smem:$0x3FFB];
	_ =	sdelay $0x3  }
0x8f: {  	_ =	strace s15  }
0x90: {  	s0 =	sld [smem:$0x3FFC];
	_ =	sdelay $0x3  }
0x91: {  	_ =	strace s0  }
0x92: {  	s0 =	sld [smem:$0x3FFD];
	_ =	sdelay $0x3  }
0x93: {  	_ =	strace s0  }
0x94: {  	_ =	strace $0x8FFFFFFF  }
0x95: {  	s16 =	sld [smem:$0x3FDB];
	_ =	sdelay $0x1  }
0x96: {  	s17 =	simm.s32 $_scs_section_size  }
0x97: {  	s2 =	simm.s32 $_size__tile_overlayer_lowered;
	s3 =	simm.s32 $_tile_overlayer_lowered  }
0x98: {  	s20 =	simm.s32 $0x1BFF;
	s19 =	sshll.u32 s3, $0x1;
	s0 =	sadd.s32 s17, s16  }
0x99: {  	s4 =	simm.s32 $0x0;
	s18 =	sshll.u32 s2, $0x1;
	s2 =	sadd.s32 s19, s0  }
0x9a: {  	[timem:s4], [sflag:s20] =	dma.local [hbm:s2], s18  }
0x9b: {  	_ =	swait.ge [sflag:s20], s18  }
0x9c: {  	s1 =	ssub.s32 $0x0, s18;
	[sflag:s20] =	ssyncset.done $0x0  }
0x9d: {  	[sflag:s20] =	ssyncadd.s32 s1;
	_ =	sdelay $0x1  }
0x9e: {  	s21 =	simm.s32 $0x1B8B  }
0x9f: {  	_ =	swait.ge [sflag:s21], $0x1  }
0xa0: {  	[sflag:s21] =	ssyncset.done $0x0  }
0xa1: {  	s23 =	simm.s32 $0x1B8E;
	s22 =	sld [smem:$0x3FFE];
	[sflag:s21] =	ssyncadd.s32 $0xFFFFFFFF  }
0xa2: {  	s24 =	simm.s32 $execute0_lowered;
	[smem:$0x3FD2] =	sst s23  }
0xa3: {  	s2 =	sshll.u32 s24, $0x1;
	_ =	strace $0x80000049;
	[dreg:$0x1] =	wrdreg $0xFFFFFFFF  }
0xa4: {  	s25 =	simm.s32 $_size_execute0_lowered;
	s0 =	sadd.s32 s0, s2;
	[dreg:$0x0] =	wrdreg $0x0  }
0xa5: {  	s2 =	sshll.u32 s25, $0x1;
	[dreg:$0x2] =	wrdreg s0  }
0xa6: {  	[dreg:$0x3] =	wrdreg s2  }
0xa7: {  	[dreg:$0x4] =	wrdreg $0xC0  }
0xa8: {  	_ =	task [dreg:s4], $0x5FFFF  }
0xa9: {  	[dreg:$0x1] =	wrdreg $0xFFFFFFFF  }
0xaa: {  	[dreg:$0x0] =	wrdreg $0x60  }
0xab: {  	[dreg:$0x2] =	wrdreg s22  }
0xac: {  	[dreg:$0x3] =	wrdreg $0xA  }
0xad: {  	_ =	task.clear_ibuf [dreg:s4], $0x4FFFF;
	_ =	strace $0x90000049  }
0xae: {  	s26 =	simm.s32 $0xA;
	_ =	strace $0x8000004B  }
0xaf: {  	_ =	swait.ge [sflag:s26], $0x1  }
0xb0: {  	[sflag:s26] =	ssyncadd.s32 $0xFFFFFFFF  }
0xb1: {  	_ =	strace $0x9000004B  }
0xb2: {  	_ =	sfence  }
0xb3: {  	s28 =	sld [smem:$0x0];
	_ =	sdelay $0x1  }
0xb4: {  	s29 =	srdreg.scid  }
0xb5: {  	s30 =	sshll.u32 s29, $0xD;
	s31 =	sshrl.u32 s29, $0x2  }
0xb6: {  	s1 =	sand.u32 $0x1, s29;
	s2 =	sand.u32 $0x4000, s30;
	s0 =	sadd.s32 s31, s28  }
0xb7: {  	s1 =	sor.u32 s2, s1;
	s0 =	sshll.u32 s0, $0x11  }
0xb8: {  	s0 =	sor.u32 s0, s1  }
0xb9: {  	s0 =	sadd.s32 $0x8F2B, s0  }
0xba: {  	[sflag:s0] =	ssyncadd.remote.s32 $0x1  }
0xbb: {  	_ =	sfence.sel $0xFFFF  }
0xbc: {  	[dreg:$0x0] =	wrdreg $0xFFFFFFFF;
	(pc) =	sbr.abs _section_cstart, $3  }
0xbd: {  	[dreg:$0x1] =	wrdreg $0xFFFFFFFF  }
0xbe: {  	_ =	task.clear_ibuf [dreg:s4], $0x2FFFF;
	_ =	strace $0x9FFFFFFF  }
0xbf: {  	(tm) =	ssettm $0x7FFFFFFF  }
tec
execute0_lowered:
.L_overlay_start_1:
0x0: {  	(tag) =	ssettag $0x1  }
0x1: {  	s0 =	stileid.u32  }
0x2: {  	s1 =	smin.u32 s0, $0x9  }
0x3: {  	s1 =	sadd.s32 s0, s1  }
0x4: {  	p0 =	slt.u32 s0, $0x9;
	s2 =	smul.u32 $0x78, s1;
	s1 =	simm.s32 $0xF0  }
0x5: {  	s1 =	simm.s32 @!p0 $0x78  }
0x6: {  	s1 =	sadd.s32 s1, s2  }
0x7: {  	s3 =	smin.u32 s1, $0xBB8  }
0x8: {  	s7 =	ssub.s32 s3, s2  }
0x9: {  	p0 =	sgt.s32 s7, $0x0  }
0xa: {  	s7 =	simm.s32 @!p0 $0x0  }
0xb: {  	s4 =	smul.u32 $0x8889, s7  }
0xc: {  	s9 =	rddreg [dreg:$0x0];
	s6 =	simm.s32 $0x1;
	s11 =	simm.s32 $0x3  }
0xd: {  	s13 =	simm.s32 $0x0;
	s12 =	simm.s32 $0x0;
	s8 =	sshrl.u32 s4, $0x16  }
0xe: {  	s1 =	rddreg [dreg:$0x1];
	_ =	strace $0x8000004A;
	s10 =	smul.u32 $0x78, s8  }
.Ltmp0:
0xf: {  	s5 =	sadd.s32 $0x1FE400, s9;
	[sflag:s6] =	ssyncpa.u1 $0x0;
	(pc) =	sbr.rel .LBB2_1-.Ltmp0, $4  }
0x10: {  	s4 =	sadd.s32 $0x20A400, s9;
	p0 =	sne.s32 s7, s10;
	s10 =	simm.s32 $0x1  }
0x11: {  	s9 =	sadd.s32 $0x404800, s9;
	s7 =	simm.s32 $0x2;
	s10 =	simm.s32 @!p0 $0x0  }
0x12: {  	[sflag:s7] =	ssyncpa.u1 $0x0;
	p0 =	por $0x0, $0x0;
	s8 =	sadd.s32 s8, s10  }
0x13: {  	vm0 =	vmmov $0xff;
	vm1 =	vcmask $0x3F20;
	[sflag:s11] =	ssyncpa.u1 $0x0;
	s11 =	smov.u32 s2;
	s10 =	sadd.s32 $0x1, s8  }
.LBB2_6:
0x14: {  	[hbm:s17] =	stream.linear.scatter [tilespmem:s14], [sflag:$0x3], $0x400, $0x38;
	[tilespmem:$0x78F0] =	vst v63  }
.LBB2_7:
0x15: {  	s13 =	sadd.s32 $0x78, s11  }
0x16: {  	s15 =	smov.u32 s2;
	p2 =	slt.s32 s13, s3  }
0x17: {  	s15 =	smov.u32 @p2 s13;
	p2 =	sne.s32 s12, s10  }
.Ltmp1:
0x18: {  	p1 =	slt.u32 s12, $0x2;
	(pc) =	sbr.rel @!p2 .LBB2_8-.Ltmp1, $4  }
0x19: {  	s14 =	simm.s32 @!p1 $0x3  }
0x1a: {  	s16 =	sadd.s32 $0x1, s12;
	_ =	swait.ge @!p1 [sflag:s14], $0x3C00  }
0x1b: {  	p0 =	por !p0, !p0;
	s13 =	smov.u32 s11;
	[sflag:s14] =	ssyncset.done @!p1 $0x0  }
0x1c: {  	s12 =	smov.u32 s16;
	s11 =	smov.u32 s15;
	[sflag:s14] =	ssyncadd.s32 @!p1 $0xFFFFC400  }
.LBB2_1:
0x1d: {  	p1 =	sge.u32 s12, s8  }
0x1e: {  	s14 =	sxor.u32 @!p1 $0xFFFFFFFF, s12  }
0x1f: {  	s14 =	sand.u32 @!p1 $0x1, s14  }
0x20: {  	s14 =	smul.u32 @!p1 $0x1E0, s14  }
0x21: {  	s31 =	sadd.s32 $0xFFFFFFFF, s12;
	s15 =	sshrl.u32 @!p1 s11, $0x3  }
0x22: {  	s16 =	sand.u32 @!p1 $0x7, s11;
	s15 =	sadd.s32 @!p1 s5, s15;
	s14 =	sshrl.u32 @!p1 s14, $0x2  }
0x23: {  	[tilespmem:s14], [sflag:$0x2] =	stream.linear.gather @!p1 [hbm4b:s15+s16], $0x78, $0x38;
	[tilespmem:$0x78F0] =	vst v63  }
0x24: {  	p1 =	sge.u32 s31, s8  }
.Ltmp2:
0x25: {  	_ = 	snop;
	(pc) =	sbr.rel @p1 .LBB2_7-.Ltmp2, $1  }
0x26: {  	_ =	sdelay $0x3  }
0x27: {  	s14 =	simm.s32 $0x1  }
0x28: {  	s14 =	simm.s32 @!p0 $0x0  }
0x29: {  	s15 =	smul.u32 $0x1E0, s14  }
0x2a: {  	_ =	swait.ge [sflag:s7], $0x78  }
0x2b: {  	[sflag:s7] =	ssyncset.done $0x0;
	s16 =	sshrl.u32 s15, $0x2  }
0x2c: {  	[sflag:s7] =	ssyncadd.s32 $0xFFFFFF88;
	s15 =	sadd.s32 $0x0, s16  }
0x2d: {  	v0 =	vld.msk [tilespmem:s15+$0x0 ss:$0x1], $0xffff;
	_ =	sdelay $0x4  }
0x2e: {  	vm2 =	vgt.s32 v0, $0x0  }
0x2f: {  	v0 =	vnsel vm2, $0x0, v0  }
0x30: {  	v0 =	vmin.u32 v0, $0x1FA3F  }
0x31: {  	v0 =	vshll.u32 v0, $0x4  }
0x32: {  	s14 =	smul.u32 $0xF000, s14  }
0x33: {  	s31 =	sand.u32 $0x1, s12  }
0x34: {  	s17 =	smul.u32 $0x1E0, s31;
	s14 =	sshrl.u32 s14, $0x2  }
0x35: {  	s19 =	smul.u32 $0xF000, s31;
	s14 =	sor.u32 $0xF0, s14  }
0x36: {  	[tilespmem:s14], [sflag:$0x1] =	stream.indirect_vreg.gather [hbm:s4], $0x80, v0, vm0, $0x38;
	[tilespmem:$0x78F0] =	vst v63  }
0x37: {  	s18 =	sshrl.u32 s17, $0x2;
	s20 =	sadd.s32 $0x10, s16;
	s15 =	sadd.s32 $0x400, s14  }
0x38: {  	[tilespmem:s15], [sflag:$0x1] =	stream.indirect_vreg.gather [hbm:s4], $0x80, v0, vm1, $0x38;
	[tilespmem:$0x78F0] =	vst v63  }
0x39: {  	s17 =	sshrl.u32 s19, $0x2;
	s19 =	smov.u32 s14;
	v0 =	vld.msk [tilespmem:s20+$0x0 ss:$0x1], $0xffff;
	s20 =	simm.s32 $0x80  }
.LBB2_3:
0x3a: {  	p1 =	sne.s32 s20, $0x180;
	_ =	sdelay $0x4  }
0x3b: {  	vm2 =	vgt.s32 v0, $0x0  }
0x3c: {  	v0 =	vnsel vm2, $0x0, v0  }
0x3d: {  	v0 =	vmin.u32 v0, $0x1FA3F  }
0x3e: {  	v0 =	vshll.u32 v0, $0x4;
	_ =	sdelay $0x3  }
.Ltmp3:
0x3f: {  	s21 =	sshra.s32 s20, $0x2;
	s19 =	sadd.s32 $0x800, s19;
	(pc) =	sbr.rel @p1 .LBB2_3-.Ltmp3, $4  }
0x40: {  	[tilespmem:s19], [sflag:$0x1] =	stream.indirect_vreg.gather [hbm:s4], $0x80, v0, vm0, $0x38;
	[tilespmem:$0x78F0] =	vst v63  }
0x41: {  	s21 =	sadd.s32 s21, s16;
	s22 =	sadd.s32 $0x400, s19  }
0x42: {  	[tilespmem:s22], [sflag:$0x1] =	stream.indirect_vreg.gather [hbm:s4], $0x80, v0, vm1, $0x38;
	[tilespmem:$0x78F0] =	vst v63  }
0x43: {  	s20 =	sadd.s32 $0x40, s20;
	v0 =	vld.msk [tilespmem:s21+$0x0 ss:$0x1], $0xffff  }
0x44: {  	_ =	sdelay $0x3  }
0x45: {  	vm2 =	vgt.s32 v0, $0x0  }
0x46: {  	v0 =	vnsel vm2, $0x0, v0  }
0x47: {  	v0 =	vmin.u32 v0, $0x1FA3F  }
0x48: {  	v0 =	vshll.u32 v0, $0x4;
	_ =	sdelay $0x3  }
0x49: {  	s16 =	sadd.s32 $0x800, s19  }
0x4a: {  	[tilespmem:s16], [sflag:$0x1] =	stream.indirect_vreg.gather [hbm:s4], $0x80, v0, vm0, $0x38;
	[tilespmem:$0x78F0] =	vst v63  }
0x4b: {  	s16 =	sadd.s32 $0x400, s16  }
0x4c: {  	[tilespmem:s16], [sflag:$0x1] =	stream.indirect_vreg.gather [hbm:s4], $0x80, v0, vm1, $0x38;
	[tilespmem:$0x78F0] =	vst v63  }
0x4d: {  	v0 =	vld.msk [tilespmem:s18+$0x70 ss:$0x1], $0xff;
	_ =	sdelay $0x4  }
0x4e: {  	vm2 =	vgt.s32 v0, $0x0  }
0x4f: {  	v0 =	vnsel vm2, $0x0, v0  }
0x50: {  	v0 =	vmin.u32 v0, $0x1FA3F  }
0x51: {  	v0 =	vshll.u32 v0, $0x4;
	_ =	sdelay $0x3  }
0x52: {  	s31 =	sadd.s32 $0x38F0, s17  }
0x53: {  	[tilespmem:s31], [sflag:$0x1] =	stream.indirect_vreg.gather [hbm:s4], $0x80, v0, vm0, $0x38;
	[tilespmem:$0x78F0] =	vst v63  }
0x54: {  	s13 =	sshll.u32 s13, $0x4;
	_ =	swait.ge [sflag:s6], $0x3C00  }
0x55: {  	s13 =	sadd.s32 s13, s9;
	[sflag:s6] =	ssyncset.done $0x0  }
0x56: {  	s17 =	sadd.s32 $0x0, s13;
	s16 =	simm.s32 $0x80;
	[sflag:s6] =	ssyncadd.s32 $0xFFFFC400  }
.LBB2_5:
0x57: {  	[hbm:s17] =	stream.linear.scatter [tilespmem:s14], [sflag:$0x3], $0x400, $0x38;
	[tilespmem:$0x78F0] =	vst v63  }
0x58: {  	s17 =	smov.u32 s16;
	s14 =	smov.u32 s15;
	p1 =	sne.s32 s16, $0x700  }
.Ltmp4:
0x59: {  	s16 =	sadd.s32 $0x80, s16;
	(pc) =	sbr.rel @p1 .LBB2_5-.Ltmp4, $2  }
0x5a: {  	_ =	sdelay $0x2  }
0x5b: {  	s15 =	sadd.s32 $0x400, s15;
	s17 =	sadd.s32 s17, s13  }
.Ltmp5:
0x5c: {  	_ = 	snop;
	(pc) =	sbr.rel .LBB2_6-.Ltmp5, $1  }
0x5d: {  	_ =	sdelay $0x3  }
.LBB2_8:
0x5e: {  	_ =	sfence.sel $0x180000  }
0x5f: {  	s2 =	simm.s32 $0x2;
	[bflag:$0x0] =	sbarrier.arrive $0xFFFF  }
0x60: {  	s30 =	simm.s32 $0x3;
	[sflag:s2] =	ssyncpa.u1 $0x1  }
0x61: {  	s31 =	simm.s32 $0x1;
	[sflag:s30] =	ssyncpa.u1 $0x1  }
0x62: {  	[sflag:s31] =	ssyncpa.u1 $0x1  }
0x63: {  	p0 =	sne.s32 s0, $0x0;
	_ =	strace $0x9000004A  }
0x64: {  	s0 =	sadd.s32 @!p0 $0x100000, s1;
	[bflag:$0x2] =	sbarrier.arrive $0xFFFF  }
0x65: {  	[sflag:s0] =	ssyncadd.tile.s32 @!p0 $0x1;
	_ =	shalt  }
.Lfunc_end2:
_tile_overlayer_lowered:
.L_overlay_start_2:
0x66: {  	(tag) =	ssettag $0x2  }
0x67: {  	s0 =	rddreg [dreg:$0x0];
	s2 =	stileid.u32  }
0x68: {  	s1 =	rddreg [dreg:$0x1];
	p0 =	sne.s32 s2, $0x0  }
0x69: {  	s3 =	rddreg [dreg:$0x2];
	[bflag:$0x3] =	sbarrier.arrive $0xFFFF;
	s2 =	simm.s32 @!p0 $0x1C01  }
0x6a: {  	[timem:s3], [sflag:s2] =	dma.local @!p0 [hbm:s0], s1  }
0x6b: {  	s0 =	simm.s32 @!p0 $0x1  }
0x6c: {  	_ =	swait.ge @!p0 [sflag:s0], s1  }
0x6d: {  	s1 =	ssub.s32 @!p0 $0x0, s1;
	[sflag:s0] =	ssyncset.done @!p0 $0x0  }
0x6e: {  	[sflag:s0] =	ssyncadd.s32 @!p0 s1  }
0x6f: {  	[bflag:$0x3] =	sbarrier.arrive $0xFFFF  }
0x70: {  	_ =	shalt  }

// kernel: gather_offload_async_start
scs
__scs_entry_jumppad:
0x0: {  	(pc) =	sbr.rel $0x88, $3  }
0x1: {  	(tag) =	ssettag $0x0;
	lr =	simm.s32 $0x1  }
0x2: {  	[smem:$0x3F9F] =	sst lr;
	_ =	strace $0xD0000000  }
0x3: {  	_ = 	snop  }
0x4: {  	_ = 	snop  }
0x5: {  	_ = 	snop  }
0x6: {  	_ = 	snop  }
0x7: {  	_ = 	snop  }
__scs_overlays_trampoline_lowered:
0x8: {  	[smem:$0x3FAE] =	sst s0  }
0x9: {  	[smem:$0x3FAF] =	sst s1  }
0xa: {  	[smem:$0x3FB0] =	sst s2  }
0xb: {  	[smem:$0x3FB1] =	sst s3  }
0xc: {  	[smem:$0x3FB2] =	sst s4  }
0xd: {  	[smem:$0x3FB3] =	sst s5  }
0xe: {  	[smem:$0x3FB4] =	sst s6  }
0xf: {  	[smem:$0x3FB5] =	sst s7  }
0x10: {  	[smem:$0x3FB6] =	sst s8  }
0x11: {  	[smem:$0x3FB7] =	sst s9;
	s0 =	simm.s32 @!p0 $0x0  }
0x12: {  	s1 =	sld [smem:$0x3F9D];
	s0 =	simm.s32 @p0 $0x1  }
0x13: {  	[smem:$0x3FB8] =	sst s0;
	s0 =	simm.s32 @!p1 $0x0  }
0x14: {  	s2 =	sld [smem:$0x3F9C];
	s0 =	simm.s32 @p1 $0x1  }
0x15: {  	[smem:$0x3FB9] =	sst s0;
	s0 =	simm.s32 @!p2 $0x0  }
0x16: {  	s3 =	sld [smem:$0x3FDB];
	s0 =	simm.s32 @p2 $0x1  }
0x17: {  	s4 =	simm.s32 $0x1BF5;
	[smem:$0x3FBB] =	sst s0  }
0x18: {  	s0 =	sld [smem:$0x3F9E];
	_ =	swait.ge [sflag:s4], $0x0  }
0x19: {  	s7 =	sld [smem:$0x3F9F]  }
0x1a: {  	s8 =	sadd.s32 $0xFFFFE003, lr  }
0x1b: {  	s9 =	sadd.s32 $0xFFFFFEF7, lr;
	s5 =	simm.s32 $0xFFFFFFFF;
	p2 =	slt.u32 s8, $0xFFFFF086  }
0x1c: {  	p1 =	slt.u32 s9, $0xF7A;
	s5 =	simm.s32 @!p2 $0x0  }
0x1d: {  	s5 =	simm.s32 @p1 $0x1;
	p0 =	seq.s32 s7, s2  }
0x1e: {  	s7 =	smul.u32 @!p0 $0xF7A, s2;
	p2 =	seq.s32 @!p0 s5, $0x0  }
0x1f: {  	s9 =	smul.u32 $0xF7A, s1;
	s8 =	simm.s32 @!p0 $0x1BF5;
	p2 =	por !p2, p0  }
0x20: {  	[sflag:s8] =	ssyncset.s32 @!p0 $0xFFFFF086;
	s6 =	sadd.s32 @!p0 s3, s7;
	s7 =	simm.s32 @!p0 $0x108  }
0x21: {  	s3 =	sadd.s32 s3, s9;
	s6 =	sadd.s32 @!p0 $0x88, s6;
	s7 =	simm.s32 @p2 $0x1082  }
0x22: {  	[simem:s7], [sflag:s8] =	dma.local @!p0 [hbm:s6], $0xF7A  }
0x23: {  	s9 =	sor.u32 $0xD0000000, s2;
	s6 =	simm.s32 $0x108;
	_ =	swait.ge @!p0 [sflag:s8], $0x0  }
0x24: {  	s3 =	sadd.s32 $0x88, s3;
	s6 =	simm.s32 @!p1 $0x1082;
	[sflag:s4] =	ssyncset.s32 $0xFFFFF086  }
0x25: {  	[simem:s6], [sflag:s4] =	dma.local [hbm:s3], $0xF7A  }
0x26: {  	[smem:$0x3F9F] =	sst s1;
	(tag) =	ssettag s2;
	_ =	strace s9  }
0x27: {  	s1 =	sld [smem:$0x3FAF]  }
0x28: {  	s2 =	sld [smem:$0x3FB0]  }
0x29: {  	s4 =	sld [smem:$0x3FB2]  }
0x2a: {  	p0 =	seq.s32 s5, $0x0;
	s5 =	sld [smem:$0x3FB3]  }
0x2b: {  	s6 =	sld [smem:$0x3FB4]  }
0x2c: {  	s7 =	sld [smem:$0x3FB5]  }
0x2d: {  	s3 =	simm.s32 $0x108;
	s8 =	sld [smem:$0x3FB6]  }
0x2e: {  	s3 =	simm.s32 @!p0 $0x1082;
	s9 =	sld [smem:$0x3FB7]  }
0x2f: {  	lr =	sadd.s32 s0, s3;
	s0 =	sld [smem:$0x3FAE]  }
0x30: {  	s3 =	sld [smem:$0x3FB1]  }
0x31: {  	[smem:$0x3FBA] =	sst s10  }
0x32: {  	s10 =	sld [smem:$0x3FB8];
	_ =	sdelay $0x3  }
0x33: {  	p0 =	seq.s32 s10, $0x1;
	s10 =	sld [smem:$0x3FBA];
	_ =	sdelay $0x3  }
0x34: {  	[smem:$0x3FBA] =	sst s10  }
0x35: {  	s10 =	sld [smem:$0x3FB9];
	_ =	sdelay $0x3  }
0x36: {  	p1 =	seq.s32 s10, $0x1;
	s10 =	sld [smem:$0x3FBA];
	_ =	sdelay $0x3  }
0x37: {  	[smem:$0x3FBA] =	sst s10  }
0x38: {  	s10 =	sld [smem:$0x3FBB]  }
0x39: {  	_ = 	snop;
	(pc) =	sbr.ind lr, $3  }
0x3a: {  	_ = 	snop  }
0x3b: {  	_ = 	snop  }
0x3c: {  	p2 =	seq.s32 s10, $0x1;
	s10 =	sld [smem:$0x3FBA]  }
0x3d: {  	_ =	shalt  }
0x3e: {  	_ =	shalt  }
0x3f: {  	_ =	shalt  }
0x40: {  	_ =	shalt  }
0x41: {  	_ =	shalt  }
0x42: {  	_ =	shalt  }
0x43: {  	_ =	shalt  }
0x44: {  	_ =	shalt  }
0x45: {  	_ =	shalt  }
0x46: {  	_ =	shalt  }
0x47: {  	_ =	shalt  }
0x48: {  	_ =	shalt  }
0x49: {  	_ =	shalt  }
0x4a: {  	_ =	shalt  }
0x4b: {  	_ =	shalt  }
0x4c: {  	_ =	shalt  }
0x4d: {  	_ =	shalt  }
0x4e: {  	_ =	shalt  }
0x4f: {  	_ =	shalt  }
0x50: {  	_ =	shalt  }
0x51: {  	_ =	shalt  }
0x52: {  	_ =	shalt  }
0x53: {  	_ =	shalt  }
0x54: {  	_ =	shalt  }
0x55: {  	_ =	shalt  }
0x56: {  	_ =	shalt  }
0x57: {  	_ =	shalt  }
0x58: {  	_ =	shalt  }
0x59: {  	_ =	shalt  }
0x5a: {  	_ =	shalt  }
0x5b: {  	_ =	shalt  }
0x5c: {  	_ =	shalt  }
0x5d: {  	_ =	shalt  }
0x5e: {  	_ =	shalt  }
0x5f: {  	_ =	shalt  }
0x60: {  	_ =	shalt  }
0x61: {  	_ =	shalt  }
0x62: {  	_ =	shalt  }
0x63: {  	_ =	shalt  }
0x64: {  	_ =	shalt  }
0x65: {  	_ =	shalt  }
0x66: {  	_ =	shalt  }
0x67: {  	_ =	shalt  }
0x68: {  	_ =	shalt  }
0x69: {  	_ =	shalt  }
0x6a: {  	_ =	shalt  }
0x6b: {  	_ =	shalt  }
0x6c: {  	_ =	shalt  }
0x6d: {  	_ =	shalt  }
0x6e: {  	_ =	shalt  }
0x6f: {  	_ =	shalt  }
0x70: {  	_ =	shalt  }
0x71: {  	_ =	shalt  }
0x72: {  	_ =	shalt  }
0x73: {  	_ =	shalt  }
0x74: {  	_ =	shalt  }
0x75: {  	_ =	shalt  }
0x76: {  	_ =	shalt  }
0x77: {  	_ =	shalt  }
0x78: {  	_ =	shalt  }
0x79: {  	_ =	shalt  }
0x7a: {  	_ =	shalt  }
0x7b: {  	_ =	shalt  }
0x7c: {  	_ =	shalt  }
0x7d: {  	_ =	shalt  }
0x7e: {  	_ =	shalt  }
0x7f: {  	_ =	shalt  }
0x80: {  	_ =	shalt  }
0x81: {  	_ =	shalt  }
0x82: {  	_ =	shalt  }
0x83: {  	_ =	shalt  }
0x84: {  	_ =	shalt  }
0x85: {  	_ =	shalt  }
0x86: {  	_ =	shalt  }
0x87: {  	_ =	shalt  }
.Lfunc_end0:
.L_simem_size_0:
called_computation_lowered:
.L_overlay_start_0:
0x88: {  	s0 =	sld [smem:$0x3FD9]  }
0x89: {  	s1 =	sld [smem:$0x3FFE];
	_ =	sdelay $0x3  }
0x8a: {  	s0 =	sadd.s32 s1, s0  }
0x8b: {  	[smem:$0x3FC6] =	sst s0  }
0x8c: {  	_ = 	snop  }
0x8d: {  	(tm) =	ssettm $0x1  }
0x8e: {  	s15 =	sld [smem:$0x3FFB];
	_ =	sdelay $0x3  }
0x8f: {  	_ =	strace s15  }
0x90: {  	s0 =	sld [smem:$0x3FFC];
	_ =	sdelay $0x3  }
0x91: {  	_ =	strace s0  }
0x92: {  	s0 =	sld [smem:$0x3FFD];
	_ =	sdelay $0x3  }
0x93: {  	_ =	strace s0  }
0x94: {  	_ =	strace $0x8FFFFFFF  }
0x95: {  	s16 =	sld [smem:$0x3FDB];
	_ =	sdelay $0x1  }
0x96: {  	s17 =	simm.s32 $_scs_section_size  }
0x97: {  	s2 =	simm.s32 $_size__tile_overlayer_lowered;
	s3 =	simm.s32 $_tile_overlayer_lowered  }
0x98: {  	s20 =	simm.s32 $0x1BFF;
	s19 =	sshll.u32 s3, $0x1;
	s0 =	sadd.s32 s17, s16  }
0x99: {  	s4 =	simm.s32 $0x0;
	s18 =	sshll.u32 s2, $0x1;
	s2 =	sadd.s32 s19, s0  }
0x9a: {  	[timem:s4], [sflag:s20] =	dma.local [hbm:s2], s18  }
0x9b: {  	_ =	swait.ge [sflag:s20], s18  }
0x9c: {  	s1 =	ssub.s32 $0x0, s18;
	[sflag:s20] =	ssyncset.done $0x0  }
0x9d: {  	[sflag:s20] =	ssyncadd.s32 s1;
	_ =	sdelay $0x1  }
0x9e: {  	s21 =	simm.s32 $0x1B8B  }
0x9f: {  	_ =	swait.ge [sflag:s21], $0x1  }
0xa0: {  	[sflag:s21] =	ssyncset.done $0x0  }
0xa1: {  	s23 =	simm.s32 $0x1B8E;
	s22 =	sld [smem:$0x3FFE];
	[sflag:s21] =	ssyncadd.s32 $0xFFFFFFFF  }
0xa2: {  	s24 =	simm.s32 $execute0_lowered;
	[smem:$0x3FD2] =	sst s23  }
0xa3: {  	s2 =	sshll.u32 s24, $0x1;
	_ =	strace $0x8000004C;
	[dreg:$0x1] =	wrdreg $0xFFFFFFFF  }
0xa4: {  	s25 =	simm.s32 $_size_execute0_lowered;
	s0 =	sadd.s32 s0, s2;
	[dreg:$0x0] =	wrdreg $0x0  }
0xa5: {  	s2 =	sshll.u32 s25, $0x1;
	[dreg:$0x2] =	wrdreg s0  }
0xa6: {  	[dreg:$0x3] =	wrdreg s2  }
0xa7: {  	[dreg:$0x4] =	wrdreg $0xC0  }
0xa8: {  	_ =	task [dreg:s4], $0x5FFFF  }
0xa9: {  	[dreg:$0x1] =	wrdreg $0xFFFFFFFF  }
0xaa: {  	[dreg:$0x0] =	wrdreg $0x60  }
0xab: {  	[dreg:$0x2] =	wrdreg s22  }
0xac: {  	[dreg:$0x3] =	wrdreg $0x9  }
0xad: {  	_ =	task.clear_ibuf [dreg:s4], $0x4FFFF;
	_ =	strace $0x9000004C  }
0xae: {  	s26 =	simm.s32 $0x9;
	_ =	strace $0x8000004E  }
0xaf: {  	_ =	swait.ge [sflag:s26], $0x1  }
0xb0: {  	[sflag:s26] =	ssyncadd.s32 $0xFFFFFFFF  }
0xb1: {  	_ =	strace $0x9000004E  }
0xb2: {  	_ =	sfence  }
0xb3: {  	s28 =	sld [smem:$0x0];
	_ =	sdelay $0x1  }
0xb4: {  	s29 =	srdreg.scid  }
0xb5: {  	s30 =	sshll.u32 s29, $0xD;
	s31 =	sshrl.u32 s29, $0x2  }
0xb6: {  	s1 =	sand.u32 $0x1, s29;
	s2 =	sand.u32 $0x4000, s30;
	s0 =	sadd.s32 s31, s28  }
0xb7: {  	s1 =	sor.u32 s2, s1;
	s0 =	sshll.u32 s0, $0x11  }
0xb8: {  	s0 =	sor.u32 s0, s1  }
0xb9: {  	s0 =	sadd.s32 $0x8F2B, s0  }
0xba: {  	[sflag:s0] =	ssyncadd.remote.s32 $0x1  }
0xbb: {  	_ =	sfence.sel $0xFFFF  }
0xbc: {  	[dreg:$0x0] =	wrdreg $0xFFFFFFFF;
	(pc) =	sbr.abs _section_cstart, $3  }
0xbd: {  	[dreg:$0x1] =	wrdreg $0xFFFFFFFF  }
0xbe: {  	_ =	task.clear_ibuf [dreg:s4], $0x2FFFF;
	_ =	strace $0x9FFFFFFF  }
0xbf: {  	(tm) =	ssettm $0x7FFFFFFF  }
tec
execute0_lowered:
.L_overlay_start_1:
0x0: {  	(tag) =	ssettag $0x1  }
0x1: {  	s5 =	rddreg [dreg:$0x0]  }
0x2: {  	s0 =	rddreg [dreg:$0x1]  }
0x3: {  	_ =	strace $0x8000004D;
	s1 =	stileid.u32;
	s6 =	simm.s32 $0x1  }
0x4: {  	s8 =	simm.s32 $0x2;
	s30 =	simm.s32 $0x3;
	s12 =	simm.s32 $0x0  }
0x5: {  	s9 =	simm.s32 $0x0;
	s2 =	sadd.s32 $0x1FA400, s5;
	s4 =	sshll.u32 s1, $0x4  }
0x6: {  	s10 =	simm.s32 $0x0;
	s3 =	sadd.s32 $0x1FE400, s5;
	s7 =	ssub.s32 $0xBB0, s4  }
0x7: {  	s5 =	sadd.s32 $0x1FE600, s5;
	[sflag:s6] =	ssyncpa.u1 $0x0;
	s6 =	sshrl.u32 s7, $0x8  }
0x8: {  	[sflag:s8] =	ssyncpa.u1 $0x0;
	s11 =	smov.u32 s4;
	s31 =	sshll.u32 s6, $0x4  }
0x9: {  	[sflag:s30] =	ssyncpa.u1 $0x0;
	s7 =	sadd.s32 $0x2, s6;
	s8 =	sadd.s32 $0x30, s31  }
.LBB2_1:
0xa: {  	p0 =	sgt.u32 s10, s6  }
0xb: {  	s13 =	sxor.u32 @!p0 $0xFFFFFFFF, s9;
	s14 =	sshrl.u32 @!p0 s11, $0x3  }
0xc: {  	s15 =	sand.u32 @!p0 $0x7, s11;
	s13 =	sand.u32 @!p0 $0x10, s13;
	s14 =	sadd.s32 @!p0 s3, s14  }
0xd: {  	[tilespmem:s13], [sflag:$0x2] =	stream.linear.gather @!p0 [hbm4b:s14+s15], $0x10, $0x38;
	[tilespmem:$0x40] =	vst v63  }
0xe: {  	p0 =	seq.s32 s9, $0x0  }
0xf: {  	p1 =	sge.u32 @!p0 s10, s7  }
0x10: {  	p0 =	por p1, p0  }
0x11: {  	s13 =	simm.s32 @!p0 $0x2  }
0x12: {  	_ =	swait.ge @!p0 [sflag:s13], $0x10  }
0x13: {  	[sflag:s13] =	ssyncset.done @!p0 $0x0  }
0x14: {  	[sflag:s13] =	ssyncadd.s32 @!p0 $0xFFFFFFF0;
	s13 =	sand.u32 @!p0 $0x10, s9  }
0x15: {  	(ifvalue) =	ssetifvalue @!p0 $0x7FFFFFFF;
	v0 =	vld.msk @!p0 [tilespmem:s13+$0x0 ss:$0x1], $0xffff;
	_ =	sdelay $0x4  }
0x16: {  	vm0 =	vgt.s32 @!p0 v0, $0x0  }
0x17: {  	v0 =	vnsel @!p0 vm0, $0x0, v0  }
0x18: {  	v0 =	vmin.u32 @!p0 v0, $0x1FA3F;
	_ =	sdelay $0x3  }
0x19: {  	s14 =	simm.s32 @!p0 $0x0;
	s13 =	sor.u32 @!p0 $0x20, s13;
	(ifvalue) =	ssetifvalue @!p0 $0x7FFFFFFF;
	vm0 =	vmmov @!p0 $0xffff  }
0x1a: {  	[tilespmem:s13], [sflag:$0x1] =	stream.indirect_vreg.gather @!p0 [hbm4b:s2+s14], $0x1, v0, vm0, $0x4038;
	[tilespmem:$0x40] =	vst v63  }
0x1b: {  	s14 =	simm.s32 @!p0 $0x1  }
0x1c: {  	_ =	swait.ge @!p0 [sflag:s14], $0x10  }
0x1d: {  	s15 =	sshrl.u32 @!p0 s12, $0x3;
	[sflag:s14] =	ssyncset.done @!p0 $0x0  }
0x1e: {  	s12 =	sand.u32 @!p0 $0x7, s12;
	[sflag:s14] =	ssyncadd.s32 @!p0 $0xFFFFFFF0;
	s14 =	sadd.s32 @!p0 s5, s15  }
0x1f: {  	[hbm4b:s14+s12] =	stream.linear.scatter @!p0 [tilespmem:s13], [sflag:$0x3], $0x10, $0x38;
	[tilespmem:$0x40] =	vst v63  }
0x20: {  	s14 =	sadd.s32 $0x100, s11  }
0x21: {  	s9 =	sadd.s32 $0x10, s9;
	p1 =	sgt.s32 s14, $0xBB7  }
0x22: {  	s14 =	smov.u32 @p1 s4;
	p1 =	sne.s32 s8, s9  }
.Ltmp0:
0x23: {  	p0 =	slt.u32 s10, $0x2;
	(pc) =	sbr.rel @p1 .LBB2_1-.Ltmp0, $4  }
0x24: {  	s13 =	simm.s32 @!p0 $0x3  }
0x25: {  	_ =	swait.ge @!p0 [sflag:s13], $0x10  }
0x26: {  	s12 =	smov.u32 s11;
	[sflag:s13] =	ssyncset.done @!p0 $0x0  }
0x27: {  	s10 =	sadd.s32 $0x1, s10;
	s11 =	smov.u32 s14;
	[sflag:s13] =	ssyncadd.s32 @!p0 $0xFFFFFFF0  }
0x28: {  	_ =	sfence.sel $0x180000  }
0x29: {  	s2 =	simm.s32 $0x2;
	[bflag:$0x0] =	sbarrier.arrive $0xFFFF  }
0x2a: {  	s30 =	simm.s32 $0x3;
	[sflag:s2] =	ssyncpa.u1 $0x1  }
0x2b: {  	s31 =	simm.s32 $0x1;
	[sflag:s30] =	ssyncpa.u1 $0x1  }
0x2c: {  	[sflag:s31] =	ssyncpa.u1 $0x1  }
0x2d: {  	p0 =	sne.s32 s1, $0x0;
	_ =	strace $0x9000004D  }
0x2e: {  	s0 =	sadd.s32 @!p0 $0x100000, s0;
	[bflag:$0x2] =	sbarrier.arrive $0xFFFF  }
0x2f: {  	[sflag:s0] =	ssyncadd.tile.s32 @!p0 $0x1;
	_ =	shalt  }
.Lfunc_end2:
_tile_overlayer_lowered:
.L_overlay_start_2:
0x30: {  	(tag) =	ssettag $0x2  }
0x31: {  	s0 =	rddreg [dreg:$0x0];
	s2 =	stileid.u32  }
0x32: {  	s1 =	rddreg [dreg:$0x1];
	p0 =	sne.s32 s2, $0x0  }
0x33: {  	s3 =	rddreg [dreg:$0x2];
	[bflag:$0x3] =	sbarrier.arrive $0xFFFF;
	s2 =	simm.s32 @!p0 $0x1C01  }
0x34: {  	[timem:s3], [sflag:s2] =	dma.local @!p0 [hbm:s0], s1  }
0x35: {  	s0 =	simm.s32 @!p0 $0x1  }
0x36: {  	_ =	swait.ge @!p0 [sflag:s0], s1  }
0x37: {  	s1 =	ssub.s32 @!p0 $0x0, s1;
	[sflag:s0] =	ssyncset.done @!p0 $0x0  }
0x38: {  	[sflag:s0] =	ssyncadd.s32 @!p0 s1  }
0x39: {  	[bflag:$0x3] =	sbarrier.arrive $0xFFFF  }
0x3a: {  	_ =	shalt  }

</sc_bundles>
